<compile_context>
chip_gen: v7x
topology: tpu7x:2x2x1
jax: 0.10.2.dev20260603
libtpu: 0.0.44.dev20260713+nightly
codegen_flags: <defaults>
</compile_context>

<pallas_src>
import functools

import jax
import jax.numpy as jnp
from jax import lax
from jax.experimental import pallas as pl
from jax.experimental.pallas import tpu as pltpu
from jax.experimental.pallas import tpu_sc as plsc

K_NN = 32
FEATURES = 128
HEADS = 4
_NSUB = 16


def _sc_gather(tab, idx):
    B, HN, E = tab.shape
    _, N, HK = idx.shape
    per = N // _NSUB
    mesh = plsc.VectorSubcoreMesh(core_axis_name="c", subcore_axis_name="s")

    @functools.partial(
        pl.kernel,
        mesh=mesh,
        out_type=jax.ShapeDtypeStruct((B, N, HK, E), jnp.float32),
        scratch_types=[
            pltpu.VMEM((per, HK), jnp.int32),
            pltpu.VMEM((2, HK, E), jnp.float32),
            pltpu.SemaphoreType.DMA,
            pltpu.SemaphoreType.DMA,
            pltpu.SemaphoreType.DMA,
            pltpu.SemaphoreType.DMA,
        ],
    )
    def k(tab_hbm, idx_hbm, out_hbm, idx_v, rows_v, sg0, sg1, sw0, sw1):
        b = lax.axis_index("c")
        s = lax.axis_index("s")
        base = s * per
        pltpu.sync_copy(idx_hbm.at[b, pl.ds(base, per)], idx_v)
        gsems = (sg0, sg1)
        wsems = (sw0, sw1)

        @pl.loop(0, per, step=2)
        def _(g):
            for u in range(2):
                n = g + u
                @pl.when(n >= 2)
                def _():
                    pltpu.make_async_copy(
                        rows_v.at[u], out_hbm.at[b, base + n - 2], wsems[u]
                    ).wait()
                pltpu.async_copy(
                    tab_hbm.at[b].at[idx_v.at[n]], rows_v.at[u], gsems[u]
                ).wait()
                pltpu.async_copy(rows_v.at[u], out_hbm.at[b, base + n], wsems[u])

        for u in range(2):
            pltpu.make_async_copy(
                rows_v.at[u], out_hbm.at[b, base + per - 2 + u], wsems[u]
            ).wait()

    return k(tab, idx)


def _proj_body(pc_ref, W1_ref, b1_ref, W2_ref, b2_ref, Wk1_ref, bk1_ref,
               tab_ref, pT_ref):
    x = pc_ref[0]
    for h in range(HEADS):
        proj_h = jax.nn.relu(
            jnp.dot(x, Wk1_ref[h], preferred_element_type=jnp.float32)
            + bk1_ref[h][None, :])
        tab_ref[0, h] = proj_h
        p1 = jax.nn.relu(
            jnp.dot(x, W1_ref[h], preferred_element_type=jnp.float32)
            + b1_ref[h][None, :])
        p2 = jax.nn.relu(
            jnp.dot(p1, W2_ref[h], preferred_element_type=jnp.float32)
            + b2_ref[h][None, :])
        pT_ref[0, :, h] = p2[:, 0]


def _proj(point_cloud, W1, b1, W2, b2, Wk1, bk1):
    B, N, F = point_cloud.shape
    blk = 512
    return pl.pallas_call(
        _proj_body,
        grid=(B, N // blk),
        in_specs=[
            pl.BlockSpec((1, blk, F), lambda b, i: (b, i, 0)),
            pl.BlockSpec(W1.shape, lambda b, i: (0, 0, 0)),
            pl.BlockSpec(b1.shape, lambda b, i: (0, 0)),
            pl.BlockSpec(W2.shape, lambda b, i: (0, 0, 0)),
            pl.BlockSpec(b2.shape, lambda b, i: (0, 0)),
            pl.BlockSpec(Wk1.shape, lambda b, i: (0, 0, 0)),
            pl.BlockSpec(bk1.shape, lambda b, i: (0, 0)),
        ],
        out_specs=[
            pl.BlockSpec((1, HEADS, blk, FEATURES), lambda b, i: (b, 0, i, 0)),
            pl.BlockSpec((1, blk, HEADS), lambda b, i: (b, i, 0)),
        ],
        out_shape=[
            jax.ShapeDtypeStruct((B, HEADS, N, FEATURES), jnp.float32),
            jax.ShapeDtypeStruct((B, N, HEADS), jnp.float32),
        ],
    )(point_cloud, W1, b1, W2, b2, Wk1, bk1)


def _adjw_body(pcb_ref, pcT_ref, adj_ref):
    x = pcb_ref[0]
    xt = pcT_ref[0]
    inner = -2.0 * jnp.dot(x, xt, preferred_element_type=jnp.float32)
    sq = jnp.sum(x * x, axis=1, keepdims=True)
    sqT = jnp.sum(xt * xt, axis=0, keepdims=True)
    adj_ref[0] = (sq + inner) + sqT


def _adjw(point_cloud, pcT):
    B, N, F = point_cloud.shape
    blk = 512
    return pl.pallas_call(
        _adjw_body,
        grid=(B, N // blk),
        in_specs=[
            pl.BlockSpec((1, blk, F), lambda b, i: (b, i, 0)),
            pl.BlockSpec((1, F, N), lambda b, i: (b, 0, 0)),
        ],
        out_specs=pl.BlockSpec((1, blk, N), lambda b, i: (b, i, 0)),
        out_shape=jax.ShapeDtypeStruct((B, N, N), jnp.float32),
    )(point_cloud, pcT)


def _topk_body(adj_ref, idx_ref):
    vd = adj_ref[0]
    R, N = vd.shape
    vi = jax.lax.broadcasted_iota(jnp.int32, (R, N), 1)

    big = jnp.float32(jnp.inf)
    for q in range(K_NN):
        m = jnp.min(vd, axis=1, keepdims=True)
        sel = vd == m
        istar = jnp.min(jnp.where(sel, vi, N), axis=1, keepdims=True)
        idx_ref[0, :, q] = istar[:, 0]
        vd = jnp.where(sel & (vi == istar), big, vd)


def _topk(adj):
    B, N, _ = adj.shape
    R = 128
    return pl.pallas_call(
        _topk_body,
        grid=(B, N // R),
        in_specs=[
            pl.BlockSpec((1, R, N), lambda b, i: (b, i, 0)),
        ],
        out_specs=pl.BlockSpec((1, R, K_NN), lambda b, i: (b, i, 0)),
        out_shape=jax.ShapeDtypeStruct((B, N, K_NN), jnp.int32),
    )(adj)


def _att_body(gf_ref, pT_ref, Wk2_ref, bk2_ref, att_ref, coeff_ref):
    x = gf_ref[0]
    R = x.shape[0]
    att = []
    coeff = []
    for h in range(HEADS):
        xh = x[:, h].reshape(R * K_NN, FEATURES)
        m2 = jax.nn.relu(
            jnp.dot(xh, Wk2_ref[h], preferred_element_type=jnp.float32)
            + bk2_ref[h][None, :])
        logits = pT_ref[0, :, h][:, None] + m2.reshape(R, K_NN)
        logits = jnp.where(logits > 0, logits, 0.3 * logits)
        mx = jnp.max(logits, axis=-1, keepdims=True)
        e = jnp.exp(logits - mx)
        c = e / jnp.sum(e, axis=-1, keepdims=True)
        coeff.append(c)
        att.append(jnp.sum(c[:, :, None] * x[:, h], axis=1))
    att_ref[0] = jnp.stack(att, axis=1)
    coeff_ref[0] = jnp.stack(coeff, axis=1)


def _att_coeff(gf, pT, Wk2, bk2):
    B, N = gf.shape[:2]
    R = 64
    return pl.pallas_call(
        _att_body,
        grid=(B, N // R),
        in_specs=[
            pl.BlockSpec((1, R, HEADS, K_NN, FEATURES), lambda b, i: (b, i, 0, 0, 0)),
            pl.BlockSpec((1, R, HEADS), lambda b, i: (b, i, 0)),
            pl.BlockSpec(Wk2.shape, lambda b, i: (0, 0, 0)),
            pl.BlockSpec(bk2.shape, lambda b, i: (0, 0)),
        ],
        out_specs=[
            pl.BlockSpec((1, R, HEADS, FEATURES), lambda b, i: (b, i, 0, 0)),
            pl.BlockSpec((1, R, HEADS, K_NN), lambda b, i: (b, i, 0, 0)),
        ],
        out_shape=[
            jax.ShapeDtypeStruct((B, N, HEADS, FEATURES), jnp.float32),
            jax.ShapeDtypeStruct((B, N, HEADS, K_NN), jnp.float32),
        ],
    )(gf, pT, Wk2, bk2)


def kernel(point_cloud, W1, b1, W2, b2, Wk1, bk1, Wk2, bk2):
    B, N, F = point_cloud.shape
    tab, pT = _proj(point_cloud, W1, b1, W2, b2, Wk1, bk1)
    pcT = jax.lax.optimization_barrier(jnp.swapaxes(point_cloud, 1, 2))
    adj = jax.lax.optimization_barrier(_adjw(point_cloud, pcT))
    nn_idx = _topk(adj)

    idx_ex = (nn_idx[:, :, None, :]
              + (jnp.arange(HEADS, dtype=nn_idx.dtype) * N)[None, None, :, None])
    gf = _sc_gather(tab.reshape(B, HEADS * N, FEATURES),
                    idx_ex.reshape(B, N, HEADS * K_NN))
    gf = gf.reshape(B, N, HEADS, K_NN, FEATURES)

    att, coeff = _att_coeff(gf, pT, Wk2, bk2)
    return (att, gf, coeff)

# --- scband reference (transcript-rebuilt; emitter-appended) ---
"""Pipeline reference for scband-multi-graph-attention-47184510713875 (READ-ONLY COPY).

The authoritative reference and input builder live on the scoring server;
editing this copy changes nothing except your own understanding.
"""

import jax, jax.numpy as jnp
import numpy as np

K_NN = 32
FEATURES = 128
HEADS = 4


def _glorot(key, shape):
    fan_in, fan_out = shape[-2], shape[-1]
    lim = np.sqrt(6.0 / (fan_in + fan_out))
    return jax.random.uniform(key, shape, jnp.float32, -lim, lim)


def setup_inputs(seed: int = 0) -> dict:
    key = jax.random.key(seed)
    ks = jax.random.split(key, 6)
    B, N, F = 2, 2048, 64
    point_cloud = jax.random.normal(ks[0], (B, N, F), dtype=jnp.float32)
    W1 = _glorot(ks[1], (HEADS, F, FEATURES))
    b1 = jnp.zeros((HEADS, FEATURES), dtype=jnp.float32)
    W2 = _glorot(ks[2], (HEADS, FEATURES, 1))
    b2 = jnp.zeros((HEADS, 1), dtype=jnp.float32)
    Wk1 = _glorot(ks[3], (HEADS, F, FEATURES))
    bk1 = jnp.zeros((HEADS, FEATURES), dtype=jnp.float32)
    Wk2 = _glorot(ks[4], (HEADS, FEATURES, 1))
    bk2 = jnp.zeros((HEADS, 1), dtype=jnp.float32)
    return {"point_cloud": point_cloud, "W1": W1, "b1": b1, "W2": W2, "b2": b2,
            "Wk1": Wk1, "bk1": bk1, "Wk2": Wk2, "bk2": bk2}


def _knn(point_cloud, k):
    # pairwise squared distances
    inner = -2.0 * jnp.matmul(point_cloud, jnp.swapaxes(point_cloud, 1, 2))
    sq = jnp.sum(point_cloud * point_cloud, axis=-1, keepdims=True)
    adj = sq + inner + jnp.swapaxes(sq, 1, 2)
    _, nn_idx = jax.lax.top_k(-adj, k)  # [B, N, k]
    # gather neighbor features per batch element
    neighbors = jax.vmap(lambda p, i: p[i])(point_cloud, nn_idx)  # [B, N, k, F]
    return neighbors


def reference(point_cloud, W1, b1, W2, b2, Wk1, bk1, Wk2, bk2):
    knn = _knn(point_cloud, K_NN)  # [B, N, k, F]
    attention_features_list = []
    graph_features_list = []
    attention_coefficients_list = []
    for h in range(HEADS):
        pc_mlp1 = jax.nn.relu(jnp.matmul(point_cloud, W1[h]) + b1[h])   # [B, N, feat]
        pc_mlp2 = jax.nn.relu(jnp.matmul(pc_mlp1, W2[h]) + b2[h])       # [B, N, 1]
        graph_features = jax.nn.relu(jnp.matmul(knn, Wk1[h]) + bk1[h])  # [B, N, k, feat]
        knn_mlp2 = jax.nn.relu(jnp.matmul(graph_features, Wk2[h]) + bk2[h])  # [B, N, k, 1]
        coeff = pc_mlp2[:, :, :, None] + knn_mlp2                        # [B, N, k, 1]
        coeff = jnp.transpose(coeff, (0, 1, 3, 2))                       # [B, N, 1, k]
        coeff = jnp.where(coeff > 0, coeff, 0.3 * coeff)                 # keras LeakyReLU alpha=0.3
        coeff = jax.nn.softmax(coeff, axis=-1)                           # softmax over k
        att = jnp.matmul(coeff, graph_features)                          # [B, N, 1, feat]
        att = jnp.squeeze(att, axis=2)                                   # [B, N, feat]
        attention_features_list.append(att)
        graph_features_list.append(graph_features)
        attention_coefficients_list.append(coeff)
    multi_attention_features = jnp.stack(attention_features_list, axis=2)      # [B, N, heads, feat]
    multi_graph_features = jnp.stack(graph_features_list, axis=2)              # [B, N, heads, k, feat]
    multi_attention_coefficients = jnp.concatenate(attention_coefficients_list, axis=2)  # [B, N, heads, k]
    return (multi_attention_features, multi_graph_features, multi_attention_coefficients)

if __name__ == "__main__":
    import jax
    _d = setup_inputs()
    print(jax.jit(kernel)(*tuple(_d.values())))

</pallas_src>

<mosaic_0001>
#map = affine_map<(d0, d1) -> (0, 0, 0)>
#map1 = affine_map<(d0, d1) -> (0, 0, 0, 0)>
module attributes {stable_mosaic.version = 14 : i64} {
  func.func @k(%arg0: i32, %arg1: i32, %arg2: memref<2x8192x128xf32, #tpu.memory_space<hbm>>, %arg3: memref<2x2048x128xi32, #tpu.memory_space<hbm>>, %arg4: memref<2x2048x128x128xf32, #tpu.memory_space<hbm>>, %arg5: memref<128x128xi32, #tpu.memory_space<vmem>>, %arg6: memref<2x128x128xf32, #tpu.memory_space<vmem>>, %arg7: memref<!tpu.dma_semaphore, #tpu.memory_space<semaphore_mem>>, %arg8: memref<!tpu.dma_semaphore, #tpu.memory_space<semaphore_mem>>, %arg9: memref<!tpu.dma_semaphore, #tpu.memory_space<semaphore_mem>>, %arg10: memref<!tpu.dma_semaphore, #tpu.memory_space<semaphore_mem>>) attributes {dimension_semantics = [#tpu.dimension_semantics<core_parallel>, #tpu.dimension_semantics<subcore_parallel>], iteration_bounds = array<i64: 2, 16>, scalar_prefetch = 0 : i64, scratch_operands = 6 : i64, tpu.core_type = #tpu.core_type<sc_vector_subcore>, window_params = [{transform_indices = #map}, {transform_indices = #map}, {transform_indices = #map1}]} {
    %mul3A = arith.constant 128 : i32
    %mul3A_0 = arith.muli %arg1, %mul3A : i32
    "tpu.region"() ({
      %run_scoped3A = tpu.sem_alloc : memref<!tpu.dma_semaphore, #tpu.memory_space<semaphore_mem>>
      %dma_start3A = arith.constant 0 : i32
      %dma_start3A_48 = tpu.memref_slice %arg3[%arg0, %mul3A_0, %dma_start3A] : memref<2x2048x128xi32, #tpu.memory_space<hbm>> -> memref<1x128x128xi32, #tpu.memory_space<hbm>>
      %dma_start3A_49 = tpu.memref_squeeze %dma_start3A_48 : memref<1x128x128xi32, #tpu.memory_space<hbm>> -> memref<128x128xi32, #tpu.memory_space<hbm>>
      %dma_start3A_50 = arith.constant 0 : i32
      %dma_start3A_51 = tpu.memref_slice %arg3[%arg0, %mul3A_0, %dma_start3A_50] : memref<2x2048x128xi32, #tpu.memory_space<hbm>> -> memref<1x128x128xi32, #tpu.memory_space<hbm>>
      %dma_start3A_52 = tpu.memref_squeeze %dma_start3A_51 : memref<1x128x128xi32, #tpu.memory_space<hbm>> -> memref<128x128xi32, #tpu.memory_space<hbm>>
      tpu.enqueue_dma source(%dma_start3A_52 : memref<128x128xi32, #tpu.memory_space<hbm>>) target(%arg5 : memref<128x128xi32, #tpu.memory_space<vmem>>) target_semaphore(%run_scoped3A : memref<!tpu.dma_semaphore, #tpu.memory_space<semaphore_mem>>)
      %dma_wait3A_53 = arith.constant 0 : i32
      %dma_wait3A_54 = tpu.memref_slice %arg3[%arg0, %mul3A_0, %dma_wait3A_53] : memref<2x2048x128xi32, #tpu.memory_space<hbm>> -> memref<1x128x128xi32, #tpu.memory_space<hbm>>
      %dma_wait3A_55 = tpu.memref_squeeze %dma_wait3A_54 : memref<1x128x128xi32, #tpu.memory_space<hbm>> -> memref<128x128xi32, #tpu.memory_space<hbm>>
      %dma_wait3A_56 = arith.constant 0 : i32
      %dma_wait3A_57 = tpu.memref_slice %arg3[%arg0, %mul3A_0, %dma_wait3A_56] : memref<2x2048x128xi32, #tpu.memory_space<hbm>> -> memref<1x128x128xi32, #tpu.memory_space<hbm>>
      %dma_wait3A_58 = tpu.memref_squeeze %dma_wait3A_57 : memref<1x128x128xi32, #tpu.memory_space<hbm>> -> memref<128x128xi32, #tpu.memory_space<hbm>>
      tpu.wait_dma2 semaphore(%run_scoped3A : memref<!tpu.dma_semaphore, #tpu.memory_space<semaphore_mem>>) src(%dma_wait3A_58 : memref<128x128xi32, #tpu.memory_space<hbm>>) dst(%arg5 : memref<128x128xi32, #tpu.memory_space<vmem>>)
      tpu.yield
    }) : () -> ()
    %scan3A = arith.constant 0 : i32
    %scan3A_1 = arith.constant 64 : i32
    %scan3A_2 = arith.addi %scan3A, %scan3A_1 : i32
    %scan3A_3 = arith.constant 1 : i32
    scf.for %scan3A_48 = %scan3A to %scan3A_2 step %scan3A_3  : i32 {
      %mul3A_49 = arith.constant 2 : i32
      %mul3A_50 = arith.muli %scan3A_48, %mul3A_49 : i32
      %add3A_51 = arith.constant 0 : i32
      %add3A_52 = arith.addi %add3A_51, %mul3A_50 : i32
      %add3A_53 = arith.constant 0 : i32
      %add3A_54 = arith.addi %add3A_52, %add3A_53 : i32
      %ge3A = arith.constant 2 : i32
      %ge3A_55 = arith.cmpi sge, %add3A_54, %ge3A : i32
      %convert_element_type3A = arith.extui %ge3A_55 : i1 to i32
      %cond3A = arith.constant 0 : i32
      %cond3A_56 = arith.cmpi ne, %convert_element_type3A, %cond3A : i32
      scf.if %cond3A_56 {
        %add3A_159 = arith.addi %mul3A_0, %add3A_54 : i32
        %sub3A_160 = arith.constant 2 : i32
        %sub3A_161 = arith.subi %add3A_159, %sub3A_160 : i32
        %dma_wait3A_162 = arith.constant 0 : i32
        %dma_wait3A_163 = arith.constant 0 : i32
        %dma_wait3A_164 = arith.constant 0 : i32
        %dma_wait3A_165 = tpu.memref_slice %arg6[%dma_wait3A_162, %dma_wait3A_163, %dma_wait3A_164] : memref<2x128x128xf32, #tpu.memory_space<vmem>> -> memref<1x128x128xf32, #tpu.memory_space<vmem>>
        %dma_wait3A_166 = tpu.memref_squeeze %dma_wait3A_165 : memref<1x128x128xf32, #tpu.memory_space<vmem>> -> memref<128x128xf32, #tpu.memory_space<vmem>>
        %dma_wait3A_167 = arith.constant 0 : i32
        %dma_wait3A_168 = arith.constant 0 : i32
        %dma_wait3A_169 = tpu.memref_slice %arg4[%arg0, %sub3A_161, %dma_wait3A_167, %dma_wait3A_168] : memref<2x2048x128x128xf32, #tpu.memory_space<hbm>> -> memref<1x1x128x128xf32, #tpu.memory_space<hbm>>
        %dma_wait3A_170 = tpu.memref_squeeze %dma_wait3A_169 : memref<1x1x128x128xf32, #tpu.memory_space<hbm>> -> memref<128x128xf32, #tpu.memory_space<hbm>>
        %dma_wait3A_171 = arith.constant 0 : i32
        %dma_wait3A_172 = arith.constant 0 : i32
        %dma_wait3A_173 = tpu.memref_slice %arg4[%arg0, %sub3A_161, %dma_wait3A_171, %dma_wait3A_172] : memref<2x2048x128x128xf32, #tpu.memory_space<hbm>> -> memref<1x1x128x128xf32, #tpu.memory_space<hbm>>
        %dma_wait3A_174 = tpu.memref_squeeze %dma_wait3A_173 : memref<1x1x128x128xf32, #tpu.memory_space<hbm>> -> memref<128x128xf32, #tpu.memory_space<hbm>>
        %dma_wait3A_175 = arith.constant 0 : i32
        %dma_wait3A_176 = arith.constant 0 : i32
        %dma_wait3A_177 = tpu.memref_slice %arg6[%dma_wait3A_162, %dma_wait3A_175, %dma_wait3A_176] : memref<2x128x128xf32, #tpu.memory_space<vmem>> -> memref<1x128x128xf32, #tpu.memory_space<vmem>>
        %dma_wait3A_178 = tpu.memref_squeeze %dma_wait3A_177 : memref<1x128x128xf32, #tpu.memory_space<vmem>> -> memref<128x128xf32, #tpu.memory_space<vmem>>
        tpu.wait_dma2 semaphore(%arg9 : memref<!tpu.dma_semaphore, #tpu.memory_space<semaphore_mem>>) src(%dma_wait3A_178 : memref<128x128xf32, #tpu.memory_space<vmem>>) dst(%dma_wait3A_174 : memref<128x128xf32, #tpu.memory_space<hbm>>)
      } else {
      }
      %dma_start3A = arith.constant 0 : i32
      %dma_start3A_57 = arith.constant 0 : i32
      %dma_start3A_58 = arith.constant 0 : i32
      %dma_start3A_59 = tpu.memref_slice %arg6[%dma_start3A, %dma_start3A_57, %dma_start3A_58] : memref<2x128x128xf32, #tpu.memory_space<vmem>> -> memref<1x128x128xf32, #tpu.memory_space<vmem>>
      %dma_start3A_60 = tpu.memref_squeeze %dma_start3A_59 : memref<1x128x128xf32, #tpu.memory_space<vmem>> -> memref<128x128xf32, #tpu.memory_space<vmem>>
      %dma_start3A_61 = arith.constant 0 : i32
      %dma_start3A_62 = tpu.memref_slice %arg5[%add3A_54, %dma_start3A_61] : memref<128x128xi32, #tpu.memory_space<vmem>> -> memref<1x128xi32, #tpu.memory_space<vmem>>
      %dma_start3A_63 = tpu.memref_squeeze %dma_start3A_62 : memref<1x128xi32, #tpu.memory_space<vmem>> -> memref<128xi32, #tpu.memory_space<vmem>>
      %dma_start3A_64 = arith.constant 0 : i32
      %dma_start3A_65 = arith.constant 0 : i32
      %dma_start3A_66 = tpu.memref_slice %arg2[%arg0, %dma_start3A_64, %dma_start3A_65] : memref<2x8192x128xf32, #tpu.memory_space<hbm>> -> memref<1x8192x128xf32, #tpu.memory_space<hbm>>
      %dma_start3A_67 = tpu.memref_squeeze %dma_start3A_66 : memref<1x8192x128xf32, #tpu.memory_space<hbm>> -> memref<8192x128xf32, #tpu.memory_space<hbm>>
      %dma_start3A_68 = arith.constant 0 : i32
      %dma_start3A_69 = arith.constant 0 : i32
      %dma_start3A_70 = tpu.memref_slice %dma_start3A_67[%dma_start3A_68, %dma_start3A_69] : memref<8192x128xf32, #tpu.memory_space<hbm>> -> memref<8192x128xf32, #tpu.memory_space<hbm>>
      tpu.enqueue_indirect_dma source(%dma_start3A_70 : memref<8192x128xf32, #tpu.memory_space<hbm>>) target(%dma_start3A_60 : memref<128x128xf32, #tpu.memory_space<vmem>>) offsets(%dma_start3A_63 : memref<128xi32, #tpu.memory_space<vmem>>) semaphore(%arg7 : memref<!tpu.dma_semaphore, #tpu.memory_space<semaphore_mem>>)
      %dma_wait3A_71 = arith.constant 0 : i32
      %dma_wait3A_72 = arith.constant 0 : i32
      %dma_wait3A_73 = arith.constant 0 : i32
      %dma_wait3A_74 = tpu.memref_slice %arg6[%dma_wait3A_71, %dma_wait3A_72, %dma_wait3A_73] : memref<2x128x128xf32, #tpu.memory_space<vmem>> -> memref<1x128x128xf32, #tpu.memory_space<vmem>>
      %dma_wait3A_75 = tpu.memref_squeeze %dma_wait3A_74 : memref<1x128x128xf32, #tpu.memory_space<vmem>> -> memref<128x128xf32, #tpu.memory_space<vmem>>
      %dma_wait3A_76 = arith.constant 0 : i32
      %dma_wait3A_77 = tpu.memref_slice %arg5[%add3A_54, %dma_wait3A_76] : memref<128x128xi32, #tpu.memory_space<vmem>> -> memref<1x128xi32, #tpu.memory_space<vmem>>
      %dma_wait3A_78 = tpu.memref_squeeze %dma_wait3A_77 : memref<1x128xi32, #tpu.memory_space<vmem>> -> memref<128xi32, #tpu.memory_space<vmem>>
      %dma_wait3A_79 = arith.constant 0 : i32
      %dma_wait3A_80 = arith.constant 0 : i32
      %dma_wait3A_81 = tpu.memref_slice %arg2[%arg0, %dma_wait3A_79, %dma_wait3A_80] : memref<2x8192x128xf32, #tpu.memory_space<hbm>> -> memref<1x8192x128xf32, #tpu.memory_space<hbm>>
      %dma_wait3A_82 = tpu.memref_squeeze %dma_wait3A_81 : memref<1x8192x128xf32, #tpu.memory_space<hbm>> -> memref<8192x128xf32, #tpu.memory_space<hbm>>
      %dma_wait3A_83 = arith.constant 0 : i32
      %dma_wait3A_84 = arith.constant 0 : i32
      %dma_wait3A_85 = tpu.memref_slice %dma_wait3A_82[%dma_wait3A_83, %dma_wait3A_84] : memref<8192x128xf32, #tpu.memory_space<hbm>> -> memref<8192x128xf32, #tpu.memory_space<hbm>>
      tpu.wait_indirect_dma semaphore(%arg7 : memref<!tpu.dma_semaphore, #tpu.memory_space<semaphore_mem>>) src(%dma_wait3A_85 : memref<8192x128xf32, #tpu.memory_space<hbm>>) dst(%dma_wait3A_75 : memref<128x128xf32, #tpu.memory_space<vmem>>)
      %add3A_86 = arith.addi %mul3A_0, %add3A_54 : i32
      %dma_start3A_87 = arith.constant 0 : i32
      %dma_start3A_88 = arith.constant 0 : i32
      %dma_start3A_89 = arith.constant 0 : i32
      %dma_start3A_90 = tpu.memref_slice %arg6[%dma_start3A_87, %dma_start3A_88, %dma_start3A_89] : memref<2x128x128xf32, #tpu.memory_space<vmem>> -> memref<1x128x128xf32, #tpu.memory_space<vmem>>
      %dma_start3A_91 = tpu.memref_squeeze %dma_start3A_90 : memref<1x128x128xf32, #tpu.memory_space<vmem>> -> memref<128x128xf32, #tpu.memory_space<vmem>>
      %dma_start3A_92 = arith.constant 0 : i32
      %dma_start3A_93 = arith.constant 0 : i32
      %dma_start3A_94 = tpu.memref_slice %arg4[%arg0, %add3A_86, %dma_start3A_92, %dma_start3A_93] : memref<2x2048x128x128xf32, #tpu.memory_space<hbm>> -> memref<1x1x128x128xf32, #tpu.memory_space<hbm>>
      %dma_start3A_95 = tpu.memref_squeeze %dma_start3A_94 : memref<1x1x128x128xf32, #tpu.memory_space<hbm>> -> memref<128x128xf32, #tpu.memory_space<hbm>>
      %dma_start3A_96 = arith.constant 0 : i32
      %dma_start3A_97 = arith.constant 0 : i32
      %dma_start3A_98 = tpu.memref_slice %arg4[%arg0, %add3A_86, %dma_start3A_96, %dma_start3A_97] : memref<2x2048x128x128xf32, #tpu.memory_space<hbm>> -> memref<1x1x128x128xf32, #tpu.memory_space<hbm>>
      %dma_start3A_99 = tpu.memref_squeeze %dma_start3A_98 : memref<1x1x128x128xf32, #tpu.memory_space<hbm>> -> memref<128x128xf32, #tpu.memory_space<hbm>>
      %dma_start3A_100 = arith.constant 0 : i32
      %dma_start3A_101 = arith.constant 0 : i32
      %dma_start3A_102 = tpu.memref_slice %arg6[%dma_start3A_87, %dma_start3A_100, %dma_start3A_101] : memref<2x128x128xf32, #tpu.memory_space<vmem>> -> memref<1x128x128xf32, #tpu.memory_space<vmem>>
      %dma_start3A_103 = tpu.memref_squeeze %dma_start3A_102 : memref<1x128x128xf32, #tpu.memory_space<vmem>> -> memref<128x128xf32, #tpu.memory_space<vmem>>
      tpu.enqueue_dma source(%dma_start3A_103 : memref<128x128xf32, #tpu.memory_space<vmem>>) target(%dma_start3A_99 : memref<128x128xf32, #tpu.memory_space<hbm>>) target_semaphore(%arg9 : memref<!tpu.dma_semaphore, #tpu.memory_space<semaphore_mem>>)
      %add3A_104 = arith.constant 1 : i32
      %add3A_105 = arith.addi %add3A_52, %add3A_104 : i32
      %ge3A_106 = arith.constant 2 : i32
      %ge3A_107 = arith.cmpi sge, %add3A_105, %ge3A_106 : i32
      %convert_element_type3A_108 = arith.extui %ge3A_107 : i1 to i32
      %cond3A_109 = arith.constant 0 : i32
      %cond3A_110 = arith.cmpi ne, %convert_element_type3A_108, %cond3A_109 : i32
      scf.if %cond3A_110 {
        %add3A_159 = arith.addi %mul3A_0, %add3A_105 : i32
        %sub3A_160 = arith.constant 2 : i32
        %sub3A_161 = arith.subi %add3A_159, %sub3A_160 : i32
        %dma_wait3A_162 = arith.constant 1 : i32
        %dma_wait3A_163 = arith.constant 0 : i32
        %dma_wait3A_164 = arith.constant 0 : i32
        %dma_wait3A_165 = tpu.memref_slice %arg6[%dma_wait3A_162, %dma_wait3A_163, %dma_wait3A_164] : memref<2x128x128xf32, #tpu.memory_space<vmem>> -> memref<1x128x128xf32, #tpu.memory_space<vmem>>
        %dma_wait3A_166 = tpu.memref_squeeze %dma_wait3A_165 : memref<1x128x128xf32, #tpu.memory_space<vmem>> -> memref<128x128xf32, #tpu.memory_space<vmem>>
        %dma_wait3A_167 = arith.constant 0 : i32
        %dma_wait3A_168 = arith.constant 0 : i32
        %dma_wait3A_169 = tpu.memref_slice %arg4[%arg0, %sub3A_161, %dma_wait3A_167, %dma_wait3A_168] : memref<2x2048x128x128xf32, #tpu.memory_space<hbm>> -> memref<1x1x128x128xf32, #tpu.memory_space<hbm>>
        %dma_wait3A_170 = tpu.memref_squeeze %dma_wait3A_169 : memref<1x1x128x128xf32, #tpu.memory_space<hbm>> -> memref<128x128xf32, #tpu.memory_space<hbm>>
        %dma_wait3A_171 = arith.constant 0 : i32
        %dma_wait3A_172 = arith.constant 0 : i32
        %dma_wait3A_173 = tpu.memref_slice %arg4[%arg0, %sub3A_161, %dma_wait3A_171, %dma_wait3A_172] : memref<2x2048x128x128xf32, #tpu.memory_space<hbm>> -> memref<1x1x128x128xf32, #tpu.memory_space<hbm>>
        %dma_wait3A_174 = tpu.memref_squeeze %dma_wait3A_173 : memref<1x1x128x128xf32, #tpu.memory_space<hbm>> -> memref<128x128xf32, #tpu.memory_space<hbm>>
        %dma_wait3A_175 = arith.constant 0 : i32
        %dma_wait3A_176 = arith.constant 0 : i32
        %dma_wait3A_177 = tpu.memref_slice %arg6[%dma_wait3A_162, %dma_wait3A_175, %dma_wait3A_176] : memref<2x128x128xf32, #tpu.memory_space<vmem>> -> memref<1x128x128xf32, #tpu.memory_space<vmem>>
        %dma_wait3A_178 = tpu.memref_squeeze %dma_wait3A_177 : memref<1x128x128xf32, #tpu.memory_space<vmem>> -> memref<128x128xf32, #tpu.memory_space<vmem>>
        tpu.wait_dma2 semaphore(%arg10 : memref<!tpu.dma_semaphore, #tpu.memory_space<semaphore_mem>>) src(%dma_wait3A_178 : memref<128x128xf32, #tpu.memory_space<vmem>>) dst(%dma_wait3A_174 : memref<128x128xf32, #tpu.memory_space<hbm>>)
      } else {
      }
      %dma_start3A_111 = arith.constant 1 : i32
      %dma_start3A_112 = arith.constant 0 : i32
      %dma_start3A_113 = arith.constant 0 : i32
      %dma_start3A_114 = tpu.memref_slice %arg6[%dma_start3A_111, %dma_start3A_112, %dma_start3A_113] : memref<2x128x128xf32, #tpu.memory_space<vmem>> -> memref<1x128x128xf32, #tpu.memory_space<vmem>>
      %dma_start3A_115 = tpu.memref_squeeze %dma_start3A_114 : memref<1x128x128xf32, #tpu.memory_space<vmem>> -> memref<128x128xf32, #tpu.memory_space<vmem>>
      %dma_start3A_116 = arith.constant 0 : i32
      %dma_start3A_117 = tpu.memref_slice %arg5[%add3A_105, %dma_start3A_116] : memref<128x128xi32, #tpu.memory_space<vmem>> -> memref<1x128xi32, #tpu.memory_space<vmem>>
      %dma_start3A_118 = tpu.memref_squeeze %dma_start3A_117 : memref<1x128xi32, #tpu.memory_space<vmem>> -> memref<128xi32, #tpu.memory_space<vmem>>
      %dma_start3A_119 = arith.constant 0 : i32
      %dma_start3A_120 = arith.constant 0 : i32
      %dma_start3A_121 = tpu.memref_slice %arg2[%arg0, %dma_start3A_119, %dma_start3A_120] : memref<2x8192x128xf32, #tpu.memory_space<hbm>> -> memref<1x8192x128xf32, #tpu.memory_space<hbm>>
      %dma_start3A_122 = tpu.memref_squeeze %dma_start3A_121 : memref<1x8192x128xf32, #tpu.memory_space<hbm>> -> memref<8192x128xf32, #tpu.memory_space<hbm>>
      %dma_start3A_123 = arith.constant 0 : i32
      %dma_start3A_124 = arith.constant 0 : i32
      %dma_start3A_125 = tpu.memref_slice %dma_start3A_122[%dma_start3A_123, %dma_start3A_124] : memref<8192x128xf32, #tpu.memory_space<hbm>> -> memref<8192x128xf32, #tpu.memory_space<hbm>>
      tpu.enqueue_indirect_dma source(%dma_start3A_125 : memref<8192x128xf32, #tpu.memory_space<hbm>>) target(%dma_start3A_115 : memref<128x128xf32, #tpu.memory_space<vmem>>) offsets(%dma_start3A_118 : memref<128xi32, #tpu.memory_space<vmem>>) semaphore(%arg8 : memref<!tpu.dma_semaphore, #tpu.memory_space<semaphore_mem>>)
      %dma_wait3A_126 = arith.constant 1 : i32
      %dma_wait3A_127 = arith.constant 0 : i32
      %dma_wait3A_128 = arith.constant 0 : i32
      %dma_wait3A_129 = tpu.memref_slice %arg6[%dma_wait3A_126, %dma_wait3A_127, %dma_wait3A_128] : memref<2x128x128xf32, #tpu.memory_space<vmem>> -> memref<1x128x128xf32, #tpu.memory_space<vmem>>
      %dma_wait3A_130 = tpu.memref_squeeze %dma_wait3A_129 : memref<1x128x128xf32, #tpu.memory_space<vmem>> -> memref<128x128xf32, #tpu.memory_space<vmem>>
      %dma_wait3A_131 = arith.constant 0 : i32
      %dma_wait3A_132 = tpu.memref_slice %arg5[%add3A_105, %dma_wait3A_131] : memref<128x128xi32, #tpu.memory_space<vmem>> -> memref<1x128xi32, #tpu.memory_space<vmem>>
      %dma_wait3A_133 = tpu.memref_squeeze %dma_wait3A_132 : memref<1x128xi32, #tpu.memory_space<vmem>> -> memref<128xi32, #tpu.memory_space<vmem>>
      %dma_wait3A_134 = arith.constant 0 : i32
      %dma_wait3A_135 = arith.constant 0 : i32
      %dma_wait3A_136 = tpu.memref_slice %arg2[%arg0, %dma_wait3A_134, %dma_wait3A_135] : memref<2x8192x128xf32, #tpu.memory_space<hbm>> -> memref<1x8192x128xf32, #tpu.memory_space<hbm>>
      %dma_wait3A_137 = tpu.memref_squeeze %dma_wait3A_136 : memref<1x8192x128xf32, #tpu.memory_space<hbm>> -> memref<8192x128xf32, #tpu.memory_space<hbm>>
      %dma_wait3A_138 = arith.constant 0 : i32
      %dma_wait3A_139 = arith.constant 0 : i32
      %dma_wait3A_140 = tpu.memref_slice %dma_wait3A_137[%dma_wait3A_138, %dma_wait3A_139] : memref<8192x128xf32, #tpu.memory_space<hbm>> -> memref<8192x128xf32, #tpu.memory_space<hbm>>
      tpu.wait_indirect_dma semaphore(%arg8 : memref<!tpu.dma_semaphore, #tpu.memory_space<semaphore_mem>>) src(%dma_wait3A_140 : memref<8192x128xf32, #tpu.memory_space<hbm>>) dst(%dma_wait3A_130 : memref<128x128xf32, #tpu.memory_space<vmem>>)
      %add3A_141 = arith.addi %mul3A_0, %add3A_105 : i32
      %dma_start3A_142 = arith.constant 1 : i32
      %dma_start3A_143 = arith.constant 0 : i32
      %dma_start3A_144 = arith.constant 0 : i32
      %dma_start3A_145 = tpu.memref_slice %arg6[%dma_start3A_142, %dma_start3A_143, %dma_start3A_144] : memref<2x128x128xf32, #tpu.memory_space<vmem>> -> memref<1x128x128xf32, #tpu.memory_space<vmem>>
      %dma_start3A_146 = tpu.memref_squeeze %dma_start3A_145 : memref<1x128x128xf32, #tpu.memory_space<vmem>> -> memref<128x128xf32, #tpu.memory_space<vmem>>
      %dma_start3A_147 = arith.constant 0 : i32
      %dma_start3A_148 = arith.constant 0 : i32
      %dma_start3A_149 = tpu.memref_slice %arg4[%arg0, %add3A_141, %dma_start3A_147, %dma_start3A_148] : memref<2x2048x128x128xf32, #tpu.memory_space<hbm>> -> memref<1x1x128x128xf32, #tpu.memory_space<hbm>>
      %dma_start3A_150 = tpu.memref_squeeze %dma_start3A_149 : memref<1x1x128x128xf32, #tpu.memory_space<hbm>> -> memref<128x128xf32, #tpu.memory_space<hbm>>
      %dma_start3A_151 = arith.constant 0 : i32
      %dma_start3A_152 = arith.constant 0 : i32
      %dma_start3A_153 = tpu.memref_slice %arg4[%arg0, %add3A_141, %dma_start3A_151, %dma_start3A_152] : memref<2x2048x128x128xf32, #tpu.memory_space<hbm>> -> memref<1x1x128x128xf32, #tpu.memory_space<hbm>>
      %dma_start3A_154 = tpu.memref_squeeze %dma_start3A_153 : memref<1x1x128x128xf32, #tpu.memory_space<hbm>> -> memref<128x128xf32, #tpu.memory_space<hbm>>
      %dma_start3A_155 = arith.constant 0 : i32
      %dma_start3A_156 = arith.constant 0 : i32
      %dma_start3A_157 = tpu.memref_slice %arg6[%dma_start3A_142, %dma_start3A_155, %dma_start3A_156] : memref<2x128x128xf32, #tpu.memory_space<vmem>> -> memref<1x128x128xf32, #tpu.memory_space<vmem>>
      %dma_start3A_158 = tpu.memref_squeeze %dma_start3A_157 : memref<1x128x128xf32, #tpu.memory_space<vmem>> -> memref<128x128xf32, #tpu.memory_space<vmem>>
      tpu.enqueue_dma source(%dma_start3A_158 : memref<128x128xf32, #tpu.memory_space<vmem>>) target(%dma_start3A_154 : memref<128x128xf32, #tpu.memory_space<hbm>>) target_semaphore(%arg10 : memref<!tpu.dma_semaphore, #tpu.memory_space<semaphore_mem>>)
    }
    %scan3A_4 = arith.constant 64 : i32
    %add3A = arith.constant 128 : i32
    %add3A_5 = arith.addi %mul3A_0, %add3A : i32
    %sub3A = arith.constant 2 : i32
    %sub3A_6 = arith.subi %add3A_5, %sub3A : i32
    %add3A_7 = arith.constant 0 : i32
    %add3A_8 = arith.addi %sub3A_6, %add3A_7 : i32
    %dma_wait3A = arith.constant 0 : i32
    %dma_wait3A_9 = arith.constant 0 : i32
    %dma_wait3A_10 = arith.constant 0 : i32
    %dma_wait3A_11 = tpu.memref_slice %arg6[%dma_wait3A, %dma_wait3A_9, %dma_wait3A_10] : memref<2x128x128xf32, #tpu.memory_space<vmem>> -> memref<1x128x128xf32, #tpu.memory_space<vmem>>
    %dma_wait3A_12 = tpu.memref_squeeze %dma_wait3A_11 : memref<1x128x128xf32, #tpu.memory_space<vmem>> -> memref<128x128xf32, #tpu.memory_space<vmem>>
    %dma_wait3A_13 = arith.constant 0 : i32
    %dma_wait3A_14 = arith.constant 0 : i32
    %dma_wait3A_15 = tpu.memref_slice %arg4[%arg0, %add3A_8, %dma_wait3A_13, %dma_wait3A_14] : memref<2x2048x128x128xf32, #tpu.memory_space<hbm>> -> memref<1x1x128x128xf32, #tpu.memory_space<hbm>>
    %dma_wait3A_16 = tpu.memref_squeeze %dma_wait3A_15 : memref<1x1x128x128xf32, #tpu.memory_space<hbm>> -> memref<128x128xf32, #tpu.memory_space<hbm>>
    %dma_wait3A_17 = arith.constant 0 : i32
    %dma_wait3A_18 = arith.constant 0 : i32
    %dma_wait3A_19 = tpu.memref_slice %arg4[%arg0, %add3A_8, %dma_wait3A_17, %dma_wait3A_18] : memref<2x2048x128x128xf32, #tpu.memory_space<hbm>> -> memref<1x1x128x128xf32, #tpu.memory_space<hbm>>
    %dma_wait3A_20 = tpu.memref_squeeze %dma_wait3A_19 : memref<1x1x128x128xf32, #tpu.memory_space<hbm>> -> memref<128x128xf32, #tpu.memory_space<hbm>>
    %dma_wait3A_21 = arith.constant 0 : i32
    %dma_wait3A_22 = arith.constant 0 : i32
    %dma_wait3A_23 = tpu.memref_slice %arg6[%dma_wait3A, %dma_wait3A_21, %dma_wait3A_22] : memref<2x128x128xf32, #tpu.memory_space<vmem>> -> memref<1x128x128xf32, #tpu.memory_space<vmem>>
    %dma_wait3A_24 = tpu.memref_squeeze %dma_wait3A_23 : memref<1x128x128xf32, #tpu.memory_space<vmem>> -> memref<128x128xf32, #tpu.memory_space<vmem>>
    tpu.wait_dma2 semaphore(%arg9 : memref<!tpu.dma_semaphore, #tpu.memory_space<semaphore_mem>>) src(%dma_wait3A_24 : memref<128x128xf32, #tpu.memory_space<vmem>>) dst(%dma_wait3A_20 : memref<128x128xf32, #tpu.memory_space<hbm>>)
    %add3A_25 = arith.constant 128 : i32
    %add3A_26 = arith.addi %mul3A_0, %add3A_25 : i32
    %sub3A_27 = arith.constant 2 : i32
    %sub3A_28 = arith.subi %add3A_26, %sub3A_27 : i32
    %add3A_29 = arith.constant 1 : i32
    %add3A_30 = arith.addi %sub3A_28, %add3A_29 : i32
    %dma_wait3A_31 = arith.constant 1 : i32
    %dma_wait3A_32 = arith.constant 0 : i32
    %dma_wait3A_33 = arith.constant 0 : i32
    %dma_wait3A_34 = tpu.memref_slice %arg6[%dma_wait3A_31, %dma_wait3A_32, %dma_wait3A_33] : memref<2x128x128xf32, #tpu.memory_space<vmem>> -> memref<1x128x128xf32, #tpu.memory_space<vmem>>
    %dma_wait3A_35 = tpu.memref_squeeze %dma_wait3A_34 : memref<1x128x128xf32, #tpu.memory_space<vmem>> -> memref<128x128xf32, #tpu.memory_space<vmem>>
    %dma_wait3A_36 = arith.constant 0 : i32
    %dma_wait3A_37 = arith.constant 0 : i32
    %dma_wait3A_38 = tpu.memref_slice %arg4[%arg0, %add3A_30, %dma_wait3A_36, %dma_wait3A_37] : memref<2x2048x128x128xf32, #tpu.memory_space<hbm>> -> memref<1x1x128x128xf32, #tpu.memory_space<hbm>>
    %dma_wait3A_39 = tpu.memref_squeeze %dma_wait3A_38 : memref<1x1x128x128xf32, #tpu.memory_space<hbm>> -> memref<128x128xf32, #tpu.memory_space<hbm>>
    %dma_wait3A_40 = arith.constant 0 : i32
    %dma_wait3A_41 = arith.constant 0 : i32
    %dma_wait3A_42 = tpu.memref_slice %arg4[%arg0, %add3A_30, %dma_wait3A_40, %dma_wait3A_41] : memref<2x2048x128x128xf32, #tpu.memory_space<hbm>> -> memref<1x1x128x128xf32, #tpu.memory_space<hbm>>
    %dma_wait3A_43 = tpu.memref_squeeze %dma_wait3A_42 : memref<1x1x128x128xf32, #tpu.memory_space<hbm>> -> memref<128x128xf32, #tpu.memory_space<hbm>>
    %dma_wait3A_44 = arith.constant 0 : i32
    %dma_wait3A_45 = arith.constant 0 : i32
    %dma_wait3A_46 = tpu.memref_slice %arg6[%dma_wait3A_31, %dma_wait3A_44, %dma_wait3A_45] : memref<2x128x128xf32, #tpu.memory_space<vmem>> -> memref<1x128x128xf32, #tpu.memory_space<vmem>>
    %dma_wait3A_47 = tpu.memref_squeeze %dma_wait3A_46 : memref<1x128x128xf32, #tpu.memory_space<vmem>> -> memref<128x128xf32, #tpu.memory_space<vmem>>
    tpu.wait_dma2 semaphore(%arg10 : memref<!tpu.dma_semaphore, #tpu.memory_space<semaphore_mem>>) src(%dma_wait3A_47 : memref<128x128xf32, #tpu.memory_space<vmem>>) dst(%dma_wait3A_43 : memref<128x128xf32, #tpu.memory_space<hbm>>)
    return
  }
}

module attributes {stable_mosaic.version = 14 : i64} {
  func.func @_adjw_body(%arg0: i32, %arg1: i32, %arg2: memref<1x512x64xf32, #tpu.memory_space<vmem>>, %arg3: memref<1x64x2048xf32, #tpu.memory_space<vmem>>, %arg4: memref<1x512x2048xf32, #tpu.memory_space<vmem>>) attributes {dimension_semantics = [#tpu.dimension_semantics<arbitrary>, #tpu.dimension_semantics<arbitrary>], iteration_bounds = array<i64: 2, 4>, scalar_prefetch = 0 : i64, scratch_operands = 0 : i64, tpu.core_type = #tpu.core_type<tc>, window_params = [{transform_indices = @transform_0, window_bounds = array<i64: 1, 512, 64>}, {transform_indices = @transform_1, window_bounds = array<i64: 1, 64, 2048>}, {transform_indices = @transform_2, window_bounds = array<i64: 1, 512, 2048>}]} {
    %get3A = arith.constant 0 : index
    %get3A_0 = arith.constant 0 : index
    %get3A_1 = arith.constant 0 : index
    %get3A_2 = vector.load %arg2[%get3A, %get3A_0, %get3A_1] : memref<1x512x64xf32, #tpu.memory_space<vmem>>, vector<1x512x64xf32>
    %get3A_3 = vector.shape_cast %get3A_2 : vector<1x512x64xf32> to vector<512x64xf32>
    %get3A_4 = arith.constant 0 : index
    %get3A_5 = arith.constant 0 : index
    %get3A_6 = arith.constant 0 : index
    %get3A_7 = vector.load %arg3[%get3A_4, %get3A_5, %get3A_6] : memref<1x64x2048xf32, #tpu.memory_space<vmem>>, vector<1x64x2048xf32>
    %get3A_8 = vector.shape_cast %get3A_7 : vector<1x64x2048xf32> to vector<64x2048xf32>
    %dot_general3A = arith.constant dense<0.000000e+00> : vector<512x2048xf32>
    %dot_general3A_9 = tpu.matmul %get3A_3, %get3A_8, %dot_general3A {dimension_numbers = #tpu.dot_dimension_numbers<[1], [0], [0], [1], [0, 0, 1, 1], [], []>, transpose_lhs_hint = false} : vector<512x64xf32>, vector<64x2048xf32>, vector<512x2048xf32> -> vector<512x2048xf32>
    %mul3A = arith.constant -2.000000e+00 : f32
    %mul3A_10 = vector.broadcast %mul3A : f32 to vector<512x2048xf32>
    %mul3A_11 = arith.mulf %mul3A_10, %dot_general3A_9 : vector<512x2048xf32>
    %mul3A_12 = arith.mulf %get3A_3, %get3A_3 : vector<512x64xf32>
    %reduce_sum3A = arith.constant dense<0.000000e+00> : vector<512xf32>
    %reduce_sum3A_13 = vector.multi_reduction <add>, %mul3A_12, %reduce_sum3A [1] : vector<512x64xf32> to vector<512xf32>
    %broadcast_in_dim3A = vector.shape_cast %reduce_sum3A_13 : vector<512xf32> to vector<512x1xf32>
    %mul3A_14 = arith.mulf %get3A_8, %get3A_8 : vector<64x2048xf32>
    %reduce_sum3A_15 = arith.constant dense<0.000000e+00> : vector<2048xf32>
    %reduce_sum3A_16 = vector.multi_reduction <add>, %mul3A_14, %reduce_sum3A_15 [0] : vector<64x2048xf32> to vector<2048xf32>
    %broadcast_in_dim3A_17 = vector.shape_cast %reduce_sum3A_16 : vector<2048xf32> to vector<1x2048xf32>
    %add3A = vector.broadcast %broadcast_in_dim3A : vector<512x1xf32> to vector<512x2048xf32>
    %add3A_18 = arith.addf %add3A, %mul3A_11 : vector<512x2048xf32>
    %add3A_19 = vector.broadcast %broadcast_in_dim3A_17 : vector<1x2048xf32> to vector<512x2048xf32>
    %add3A_20 = arith.addf %add3A_18, %add3A_19 : vector<512x2048xf32>
    %swap3A = arith.constant 0 : index
    %swap3A_21 = arith.constant 0 : index
    %swap3A_22 = arith.constant 0 : index
    %swap3A_23 = vector.load %arg4[%swap3A, %swap3A_21, %swap3A_22] : memref<1x512x2048xf32, #tpu.memory_space<vmem>>, vector<1x512x2048xf32>
    %swap3A_24 = vector.shape_cast %swap3A_23 : vector<1x512x2048xf32> to vector<512x2048xf32>
    %swap3A_25 = vector.shape_cast %add3A_20 : vector<512x2048xf32> to vector<1x512x2048xf32>
    tpu.vector_store %arg4[%swap3A, %swap3A_21, %swap3A_22], %swap3A_25 {strides = array<i32>} : memref<1x512x2048xf32, #tpu.memory_space<vmem>>, vector<1x512x2048xf32>,
    return
  }
  func.func @transform_0(%arg0: i32, %arg1: i32) -> (i32, i32, i32) {
    %c0_i32 = arith.constant 0 : i32
    %c0_i32_0 = arith.constant 0 : i32
    return %arg0, %arg1, %c0_i32 : i32, i32, i32
  }
  func.func @transform_1(%arg0: i32, %arg1: i32) -> (i32, i32, i32) {
    %c0_i32 = arith.constant 0 : i32
    %c0_i32_0 = arith.constant 0 : i32
    %c0_i32_1 = arith.constant 0 : i32
    return %arg0, %c0_i32, %c0_i32_0 : i32, i32, i32
  }
  func.func @transform_2(%arg0: i32, %arg1: i32) -> (i32, i32, i32) {
    %c0_i32 = arith.constant 0 : i32
    %c0_i32_0 = arith.constant 0 : i32
    return %arg0, %arg1, %c0_i32 : i32, i32, i32
  }
}

module attributes {stable_mosaic.version = 14 : i64} {
  func.func @_topk_body(%arg0: i32, %arg1: i32, %arg2: memref<1x128x2048xf32, #tpu.memory_space<vmem>>, %arg3: memref<1x128x32xi32, #tpu.memory_space<vmem>>) attributes {dimension_semantics = [#tpu.dimension_semantics<arbitrary>, #tpu.dimension_semantics<arbitrary>], iteration_bounds = array<i64: 2, 16>, scalar_prefetch = 0 : i64, scratch_operands = 0 : i64, tpu.core_type = #tpu.core_type<tc>, window_params = [{transform_indices = @transform_0, window_bounds = array<i64: 1, 128, 2048>}, {transform_indices = @transform_1, window_bounds = array<i64: 1, 128, 32>}]} {
    %get3A = arith.constant 0 : index
    %get3A_0 = arith.constant 0 : index
    %get3A_1 = arith.constant 0 : index
    %get3A_2 = vector.load %arg2[%get3A, %get3A_0, %get3A_1] : memref<1x128x2048xf32, #tpu.memory_space<vmem>>, vector<1x128x2048xf32>
    %get3A_3 = vector.shape_cast %get3A_2 : vector<1x128x2048xf32> to vector<128x2048xf32>
    %iota3A = tpu.iota {dimensions = array<i32: 1>} : vector<128x2048xi32>
    %reduce_min3A = arith.constant dense<0x7F800000> : vector<128xf32>
    %reduce_min3A_4 = vector.multi_reduction <minimumf>, %get3A_3, %reduce_min3A [1] : vector<128x2048xf32> to vector<128xf32>
    %broadcast_in_dim3A = vector.shape_cast %reduce_min3A_4 : vector<128xf32> to vector<128x1xf32>
    %eq3A = vector.broadcast %broadcast_in_dim3A : vector<128x1xf32> to vector<128x2048xf32>
    %eq3A_5 = arith.cmpf oeq, %get3A_3, %eq3A : vector<128x2048xf32>
    %jit3A = arith.constant 2048 : i32
    %broadcast_in_dim3A_6 = vector.broadcast %jit3A : i32 to vector<128x2048xi32>
    %select_n3A = arith.select %eq3A_5, %iota3A, %broadcast_in_dim3A_6 : vector<128x2048xi1>, vector<128x2048xi32>
    %reduce_min3A_7 = arith.constant dense<2147483647> : vector<128xi32>
    %reduce_min3A_8 = vector.multi_reduction <minsi>, %select_n3A, %reduce_min3A_7 [1] : vector<128x2048xi32> to vector<128xi32>
    %broadcast_in_dim3A_9 = vector.shape_cast %reduce_min3A_8 : vector<128xi32> to vector<128x1xi32>
    %squeeze3A = vector.shape_cast %broadcast_in_dim3A_9 : vector<128x1xi32> to vector<128xi32>
    %swap3A = arith.constant 0 : index
    %swap3A_10 = arith.constant 0 : index
    %swap3A_11 = arith.constant 0 : index
    %swap3A_12 = vector.load %arg3[%swap3A, %swap3A_10, %swap3A_11] : memref<1x128x32xi32, #tpu.memory_space<vmem>>, vector<1x128x1xi32>
    %swap3A_13 = vector.shape_cast %swap3A_12 : vector<1x128x1xi32> to vector<128xi32>
    %swap3A_14 = vector.shape_cast %squeeze3A : vector<128xi32> to vector<1x128x1xi32>
    tpu.vector_store %arg3[%swap3A, %swap3A_10, %swap3A_11], %swap3A_14 {strides = array<i32>} : memref<1x128x32xi32, #tpu.memory_space<vmem>>, vector<1x128x1xi32>,
    %eq3A_15 = vector.broadcast %broadcast_in_dim3A_9 : vector<128x1xi32> to vector<128x2048xi32>
    %eq3A_16 = arith.cmpi eq, %iota3A, %eq3A_15 : vector<128x2048xi32>
    %and3A = arith.andi %eq3A_5, %eq3A_16 : vector<128x2048xi1>
    %jit3A_17 = arith.constant 0x7F800000 : f32
    %broadcast_in_dim3A_18 = vector.broadcast %jit3A_17 : f32 to vector<128x2048xf32>
    %select_n3A_19 = arith.select %and3A, %broadcast_in_dim3A_18, %get3A_3 : vector<128x2048xi1>, vector<128x2048xf32>
    %reduce_min3A_20 = arith.constant dense<0x7F800000> : vector<128xf32>
    %reduce_min3A_21 = vector.multi_reduction <minimumf>, %select_n3A_19, %reduce_min3A_20 [1] : vector<128x2048xf32> to vector<128xf32>
    %broadcast_in_dim3A_22 = vector.shape_cast %reduce_min3A_21 : vector<128xf32> to vector<128x1xf32>
    %eq3A_23 = vector.broadcast %broadcast_in_dim3A_22 : vector<128x1xf32> to vector<128x2048xf32>
    %eq3A_24 = arith.cmpf oeq, %select_n3A_19, %eq3A_23 : vector<128x2048xf32>
    %jit3A_25 = arith.constant 2048 : i32
    %broadcast_in_dim3A_26 = vector.broadcast %jit3A_25 : i32 to vector<128x2048xi32>
    %select_n3A_27 = arith.select %eq3A_24, %iota3A, %broadcast_in_dim3A_26 : vector<128x2048xi1>, vector<128x2048xi32>
    %reduce_min3A_28 = arith.constant dense<2147483647> : vector<128xi32>
    %reduce_min3A_29 = vector.multi_reduction <minsi>, %select_n3A_27, %reduce_min3A_28 [1] : vector<128x2048xi32> to vector<128xi32>
    %broadcast_in_dim3A_30 = vector.shape_cast %reduce_min3A_29 : vector<128xi32> to vector<128x1xi32>
    %squeeze3A_31 = vector.shape_cast %broadcast_in_dim3A_30 : vector<128x1xi32> to vector<128xi32>
    %swap3A_32 = arith.constant 0 : index
    %swap3A_33 = arith.constant 0 : index
    %swap3A_34 = arith.constant 1 : index
    %swap3A_35 = vector.load %arg3[%swap3A_32, %swap3A_33, %swap3A_34] : memref<1x128x32xi32, #tpu.memory_space<vmem>>, vector<1x128x1xi32>
    %swap3A_36 = vector.shape_cast %swap3A_35 : vector<1x128x1xi32> to vector<128xi32>
    %swap3A_37 = vector.shape_cast %squeeze3A_31 : vector<128xi32> to vector<1x128x1xi32>
    tpu.vector_store %arg3[%swap3A_32, %swap3A_33, %swap3A_34], %swap3A_37 {strides = array<i32>} : memref<1x128x32xi32, #tpu.memory_space<vmem>>, vector<1x128x1xi32>,
    %eq3A_38 = vector.broadcast %broadcast_in_dim3A_30 : vector<128x1xi32> to vector<128x2048xi32>
    %eq3A_39 = arith.cmpi eq, %iota3A, %eq3A_38 : vector<128x2048xi32>
    %and3A_40 = arith.andi %eq3A_24, %eq3A_39 : vector<128x2048xi1>
    %jit3A_41 = arith.constant 0x7F800000 : f32
    %broadcast_in_dim3A_42 = vector.broadcast %jit3A_41 : f32 to vector<128x2048xf32>
    %select_n3A_43 = arith.select %and3A_40, %broadcast_in_dim3A_42, %select_n3A_19 : vector<128x2048xi1>, vector<128x2048xf32>
    %reduce_min3A_44 = arith.constant dense<0x7F800000> : vector<128xf32>
    %reduce_min3A_45 = vector.multi_reduction <minimumf>, %select_n3A_43, %reduce_min3A_44 [1] : vector<128x2048xf32> to vector<128xf32>
    %broadcast_in_dim3A_46 = vector.shape_cast %reduce_min3A_45 : vector<128xf32> to vector<128x1xf32>
    %eq3A_47 = vector.broadcast %broadcast_in_dim3A_46 : vector<128x1xf32> to vector<128x2048xf32>
    %eq3A_48 = arith.cmpf oeq, %select_n3A_43, %eq3A_47 : vector<128x2048xf32>
    %jit3A_49 = arith.constant 2048 : i32
    %broadcast_in_dim3A_50 = vector.broadcast %jit3A_49 : i32 to vector<128x2048xi32>
    %select_n3A_51 = arith.select %eq3A_48, %iota3A, %broadcast_in_dim3A_50 : vector<128x2048xi1>, vector<128x2048xi32>
    %reduce_min3A_52 = arith.constant dense<2147483647> : vector<128xi32>
    %reduce_min3A_53 = vector.multi_reduction <minsi>, %select_n3A_51, %reduce_min3A_52 [1] : vector<128x2048xi32> to vector<128xi32>
    %broadcast_in_dim3A_54 = vector.shape_cast %reduce_min3A_53 : vector<128xi32> to vector<128x1xi32>
    %squeeze3A_55 = vector.shape_cast %broadcast_in_dim3A_54 : vector<128x1xi32> to vector<128xi32>
    %swap3A_56 = arith.constant 0 : index
    %swap3A_57 = arith.constant 0 : index
    %swap3A_58 = arith.constant 2 : index
    %swap3A_59 = vector.load %arg3[%swap3A_56, %swap3A_57, %swap3A_58] : memref<1x128x32xi32, #tpu.memory_space<vmem>>, vector<1x128x1xi32>
    %swap3A_60 = vector.shape_cast %swap3A_59 : vector<1x128x1xi32> to vector<128xi32>
    %swap3A_61 = vector.shape_cast %squeeze3A_55 : vector<128xi32> to vector<1x128x1xi32>
    tpu.vector_store %arg3[%swap3A_56, %swap3A_57, %swap3A_58], %swap3A_61 {strides = array<i32>} : memref<1x128x32xi32, #tpu.memory_space<vmem>>, vector<1x128x1xi32>,
    %eq3A_62 = vector.broadcast %broadcast_in_dim3A_54 : vector<128x1xi32> to vector<128x2048xi32>
    %eq3A_63 = arith.cmpi eq, %iota3A, %eq3A_62 : vector<128x2048xi32>
    %and3A_64 = arith.andi %eq3A_48, %eq3A_63 : vector<128x2048xi1>
    %jit3A_65 = arith.constant 0x7F800000 : f32
    %broadcast_in_dim3A_66 = vector.broadcast %jit3A_65 : f32 to vector<128x2048xf32>
    %select_n3A_67 = arith.select %and3A_64, %broadcast_in_dim3A_66, %select_n3A_43 : vector<128x2048xi1>, vector<128x2048xf32>
    %reduce_min3A_68 = arith.constant dense<0x7F800000> : vector<128xf32>
    %reduce_min3A_69 = vector.multi_reduction <minimumf>, %select_n3A_67, %reduce_min3A_68 [1] : vector<128x2048xf32> to vector<128xf32>
    %broadcast_in_dim3A_70 = vector.shape_cast %reduce_min3A_69 : vector<128xf32> to vector<128x1xf32>
    %eq3A_71 = vector.broadcast %broadcast_in_dim3A_70 : vector<128x1xf32> to vector<128x2048xf32>
    %eq3A_72 = arith.cmpf oeq, %select_n3A_67, %eq3A_71 : vector<128x2048xf32>
    %jit3A_73 = arith.constant 2048 : i32
    %broadcast_in_dim3A_74 = vector.broadcast %jit3A_73 : i32 to vector<128x2048xi32>
    %select_n3A_75 = arith.select %eq3A_72, %iota3A, %broadcast_in_dim3A_74 : vector<128x2048xi1>, vector<128x2048xi32>
    %reduce_min3A_76 = arith.constant dense<2147483647> : vector<128xi32>
    %reduce_min3A_77 = vector.multi_reduction <minsi>, %select_n3A_75, %reduce_min3A_76 [1] : vector<128x2048xi32> to vector<128xi32>
    %broadcast_in_dim3A_78 = vector.shape_cast %reduce_min3A_77 : vector<128xi32> to vector<128x1xi32>
    %squeeze3A_79 = vector.shape_cast %broadcast_in_dim3A_78 : vector<128x1xi32> to vector<128xi32>
    %swap3A_80 = arith.constant 0 : index
    %swap3A_81 = arith.constant 0 : index
    %swap3A_82 = arith.constant 3 : index
    %swap3A_83 = vector.load %arg3[%swap3A_80, %swap3A_81, %swap3A_82] : memref<1x128x32xi32, #tpu.memory_space<vmem>>, vector<1x128x1xi32>
    %swap3A_84 = vector.shape_cast %swap3A_83 : vector<1x128x1xi32> to vector<128xi32>
    %swap3A_85 = vector.shape_cast %squeeze3A_79 : vector<128xi32> to vector<1x128x1xi32>
    tpu.vector_store %arg3[%swap3A_80, %swap3A_81, %swap3A_82], %swap3A_85 {strides = array<i32>} : memref<1x128x32xi32, #tpu.memory_space<vmem>>, vector<1x128x1xi32>,
    %eq3A_86 = vector.broadcast %broadcast_in_dim3A_78 : vector<128x1xi32> to vector<128x2048xi32>
    %eq3A_87 = arith.cmpi eq, %iota3A, %eq3A_86 : vector<128x2048xi32>
    %and3A_88 = arith.andi %eq3A_72, %eq3A_87 : vector<128x2048xi1>
    %jit3A_89 = arith.constant 0x7F800000 : f32
    %broadcast_in_dim3A_90 = vector.broadcast %jit3A_89 : f32 to vector<128x2048xf32>
    %select_n3A_91 = arith.select %and3A_88, %broadcast_in_dim3A_90, %select_n3A_67 : vector<128x2048xi1>, vector<128x2048xf32>
    %reduce_min3A_92 = arith.constant dense<0x7F800000> : vector<128xf32>
    %reduce_min3A_93 = vector.multi_reduction <minimumf>, %select_n3A_91, %reduce_min3A_92 [1] : vector<128x2048xf32> to vector<128xf32>
    %broadcast_in_dim3A_94 = vector.shape_cast %reduce_min3A_93 : vector<128xf32> to vector<128x1xf32>
    %eq3A_95 = vector.broadcast %broadcast_in_dim3A_94 : vector<128x1xf32> to vector<128x2048xf32>
    %eq3A_96 = arith.cmpf oeq, %select_n3A_91, %eq3A_95 : vector<128x2048xf32>
    %jit3A_97 = arith.constant 2048 : i32
    %broadcast_in_dim3A_98 = vector.broadcast %jit3A_97 : i32 to vector<128x2048xi32>
    %select_n3A_99 = arith.select %eq3A_96, %iota3A, %broadcast_in_dim3A_98 : vector<128x2048xi1>, vector<128x2048xi32>
    %reduce_min3A_100 = arith.constant dense<2147483647> : vector<128xi32>
    %reduce_min3A_101 = vector.multi_reduction <minsi>, %select_n3A_99, %reduce_min3A_100 [1] : vector<128x2048xi32> to vector<128xi32>
    %broadcast_in_dim3A_102 = vector.shape_cast %reduce_min3A_101 : vector<128xi32> to vector<128x1xi32>
    %squeeze3A_103 = vector.shape_cast %broadcast_in_dim3A_102 : vector<128x1xi32> to vector<128xi32>
    %swap3A_104 = arith.constant 0 : index
    %swap3A_105 = arith.constant 0 : index
    %swap3A_106 = arith.constant 4 : index
    %swap3A_107 = vector.load %arg3[%swap3A_104, %swap3A_105, %swap3A_106] : memref<1x128x32xi32, #tpu.memory_space<vmem>>, vector<1x128x1xi32>
    %swap3A_108 = vector.shape_cast %swap3A_107 : vector<1x128x1xi32> to vector<128xi32>
    %swap3A_109 = vector.shape_cast %squeeze3A_103 : vector<128xi32> to vector<1x128x1xi32>
    tpu.vector_store %arg3[%swap3A_104, %swap3A_105, %swap3A_106], %swap3A_109 {strides = array<i32>} : memref<1x128x32xi32, #tpu.memory_space<vmem>>, vector<1x128x1xi32>,
    %eq3A_110 = vector.broadcast %broadcast_in_dim3A_102 : vector<128x1xi32> to vector<128x2048xi32>
    %eq3A_111 = arith.cmpi eq, %iota3A, %eq3A_110 : vector<128x2048xi32>
    %and3A_112 = arith.andi %eq3A_96, %eq3A_111 : vector<128x2048xi1>
    %jit3A_113 = arith.constant 0x7F800000 : f32
    %broadcast_in_dim3A_114 = vector.broadcast %jit3A_113 : f32 to vector<128x2048xf32>
    %select_n3A_115 = arith.select %and3A_112, %broadcast_in_dim3A_114, %select_n3A_91 : vector<128x2048xi1>, vector<128x2048xf32>
    %reduce_min3A_116 = arith.constant dense<0x7F800000> : vector<128xf32>
    %reduce_min3A_117 = vector.multi_reduction <minimumf>, %select_n3A_115, %reduce_min3A_116 [1] : vector<128x2048xf32> to vector<128xf32>
    %broadcast_in_dim3A_118 = vector.shape_cast %reduce_min3A_117 : vector<128xf32> to vector<128x1xf32>
    %eq3A_119 = vector.broadcast %broadcast_in_dim3A_118 : vector<128x1xf32> to vector<128x2048xf32>
    %eq3A_120 = arith.cmpf oeq, %select_n3A_115, %eq3A_119 : vector<128x2048xf32>
    %jit3A_121 = arith.constant 2048 : i32
    %broadcast_in_dim3A_122 = vector.broadcast %jit3A_121 : i32 to vector<128x2048xi32>
    %select_n3A_123 = arith.select %eq3A_120, %iota3A, %broadcast_in_dim3A_122 : vector<128x2048xi1>, vector<128x2048xi32>
    %reduce_min3A_124 = arith.constant dense<2147483647> : vector<128xi32>
    %reduce_min3A_125 = vector.multi_reduction <minsi>, %select_n3A_123, %reduce_min3A_124 [1] : vector<128x2048xi32> to vector<128xi32>
    %broadcast_in_dim3A_126 = vector.shape_cast %reduce_min3A_125 : vector<128xi32> to vector<128x1xi32>
    %squeeze3A_127 = vector.shape_cast %broadcast_in_dim3A_126 : vector<128x1xi32> to vector<128xi32>
    %swap3A_128 = arith.constant 0 : index
    %swap3A_129 = arith.constant 0 : index
    %swap3A_130 = arith.constant 5 : index
    %swap3A_131 = vector.load %arg3[%swap3A_128, %swap3A_129, %swap3A_130] : memref<1x128x32xi32, #tpu.memory_space<vmem>>, vector<1x128x1xi32>
    %swap3A_132 = vector.shape_cast %swap3A_131 : vector<1x128x1xi32> to vector<128xi32>
    %swap3A_133 = vector.shape_cast %squeeze3A_127 : vector<128xi32> to vector<1x128x1xi32>
    tpu.vector_store %arg3[%swap3A_128, %swap3A_129, %swap3A_130], %swap3A_133 {strides = array<i32>} : memref<1x128x32xi32, #tpu.memory_space<vmem>>, vector<1x128x1xi32>,
    %eq3A_134 = vector.broadcast %broadcast_in_dim3A_126 : vector<128x1xi32> to vector<128x2048xi32>
    %eq3A_135 = arith.cmpi eq, %iota3A, %eq3A_134 : vector<128x2048xi32>
    %and3A_136 = arith.andi %eq3A_120, %eq3A_135 : vector<128x2048xi1>
    %jit3A_137 = arith.constant 0x7F800000 : f32
    %broadcast_in_dim3A_138 = vector.broadcast %jit3A_137 : f32 to vector<128x2048xf32>
    %select_n3A_139 = arith.select %and3A_136, %broadcast_in_dim3A_138, %select_n3A_115 : vector<128x2048xi1>, vector<128x2048xf32>
    %reduce_min3A_140 = arith.constant dense<0x7F800000> : vector<128xf32>
    %reduce_min3A_141 = vector.multi_reduction <minimumf>, %select_n3A_139, %reduce_min3A_140 [1] : vector<128x2048xf32> to vector<128xf32>
    %broadcast_in_dim3A_142 = vector.shape_cast %reduce_min3A_141 : vector<128xf32> to vector<128x1xf32>
    %eq3A_143 = vector.broadcast %broadcast_in_dim3A_142 : vector<128x1xf32> to vector<128x2048xf32>
    %eq3A_144 = arith.cmpf oeq, %select_n3A_139, %eq3A_143 : vector<128x2048xf32>
    %jit3A_145 = arith.constant 2048 : i32
    %broadcast_in_dim3A_146 = vector.broadcast %jit3A_145 : i32 to vector<128x2048xi32>
    %select_n3A_147 = arith.select %eq3A_144, %iota3A, %broadcast_in_dim3A_146 : vector<128x2048xi1>, vector<128x2048xi32>
    %reduce_min3A_148 = arith.constant dense<2147483647> : vector<128xi32>
    %reduce_min3A_149 = vector.multi_reduction <minsi>, %select_n3A_147, %reduce_min3A_148 [1] : vector<128x2048xi32> to vector<128xi32>
    %broadcast_in_dim3A_150 = vector.shape_cast %reduce_min3A_149 : vector<128xi32> to vector<128x1xi32>
    %squeeze3A_151 = vector.shape_cast %broadcast_in_dim3A_150 : vector<128x1xi32> to vector<128xi32>
    %swap3A_152 = arith.constant 0 : index
    %swap3A_153 = arith.constant 0 : index
    %swap3A_154 = arith.constant 6 : index
    %swap3A_155 = vector.load %arg3[%swap3A_152, %swap3A_153, %swap3A_154] : memref<1x128x32xi32, #tpu.memory_space<vmem>>, vector<1x128x1xi32>
    %swap3A_156 = vector.shape_cast %swap3A_155 : vector<1x128x1xi32> to vector<128xi32>
    %swap3A_157 = vector.shape_cast %squeeze3A_151 : vector<128xi32> to vector<1x128x1xi32>
    tpu.vector_store %arg3[%swap3A_152, %swap3A_153, %swap3A_154], %swap3A_157 {strides = array<i32>} : memref<1x128x32xi32, #tpu.memory_space<vmem>>, vector<1x128x1xi32>,
    %eq3A_158 = vector.broadcast %broadcast_in_dim3A_150 : vector<128x1xi32> to vector<128x2048xi32>
    %eq3A_159 = arith.cmpi eq, %iota3A, %eq3A_158 : vector<128x2048xi32>
    %and3A_160 = arith.andi %eq3A_144, %eq3A_159 : vector<128x2048xi1>
    %jit3A_161 = arith.constant 0x7F800000 : f32
    %broadcast_in_dim3A_162 = vector.broadcast %jit3A_161 : f32 to vector<128x2048xf32>
    %select_n3A_163 = arith.select %and3A_160, %broadcast_in_dim3A_162, %select_n3A_139 : vector<128x2048xi1>, vector<128x2048xf32>
    %reduce_min3A_164 = arith.constant dense<0x7F800000> : vector<128xf32>
    %reduce_min3A_165 = vector.multi_reduction <minimumf>, %select_n3A_163, %reduce_min3A_164 [1] : vector<128x2048xf32> to vector<128xf32>
    %broadcast_in_dim3A_166 = vector.shape_cast %reduce_min3A_165 : vector<128xf32> to vector<128x1xf32>
    %eq3A_167 = vector.broadcast %broadcast_in_dim3A_166 : vector<128x1xf32> to vector<128x2048xf32>
    %eq3A_168 = arith.cmpf oeq, %select_n3A_163, %eq3A_167 : vector<128x2048xf32>
    %jit3A_169 = arith.constant 2048 : i32
    %broadcast_in_dim3A_170 = vector.broadcast %jit3A_169 : i32 to vector<128x2048xi32>
    %select_n3A_171 = arith.select %eq3A_168, %iota3A, %broadcast_in_dim3A_170 : vector<128x2048xi1>, vector<128x2048xi32>
    %reduce_min3A_172 = arith.constant dense<2147483647> : vector<128xi32>
    %reduce_min3A_173 = vector.multi_reduction <minsi>, %select_n3A_171, %reduce_min3A_172 [1] : vector<128x2048xi32> to vector<128xi32>
    %broadcast_in_dim3A_174 = vector.shape_cast %reduce_min3A_173 : vector<128xi32> to vector<128x1xi32>
    %squeeze3A_175 = vector.shape_cast %broadcast_in_dim3A_174 : vector<128x1xi32> to vector<128xi32>
    %swap3A_176 = arith.constant 0 : index
    %swap3A_177 = arith.constant 0 : index
    %swap3A_178 = arith.constant 7 : index
    %swap3A_179 = vector.load %arg3[%swap3A_176, %swap3A_177, %swap3A_178] : memref<1x128x32xi32, #tpu.memory_space<vmem>>, vector<1x128x1xi32>
    %swap3A_180 = vector.shape_cast %swap3A_179 : vector<1x128x1xi32> to vector<128xi32>
    %swap3A_181 = vector.shape_cast %squeeze3A_175 : vector<128xi32> to vector<1x128x1xi32>
    tpu.vector_store %arg3[%swap3A_176, %swap3A_177, %swap3A_178], %swap3A_181 {strides = array<i32>} : memref<1x128x32xi32, #tpu.memory_space<vmem>>, vector<1x128x1xi32>,
    %eq3A_182 = vector.broadcast %broadcast_in_dim3A_174 : vector<128x1xi32> to vector<128x2048xi32>
    %eq3A_183 = arith.cmpi eq, %iota3A, %eq3A_182 : vector<128x2048xi32>
    %and3A_184 = arith.andi %eq3A_168, %eq3A_183 : vector<128x2048xi1>
    %jit3A_185 = arith.constant 0x7F800000 : f32
    %broadcast_in_dim3A_186 = vector.broadcast %jit3A_185 : f32 to vector<128x2048xf32>
    %select_n3A_187 = arith.select %and3A_184, %broadcast_in_dim3A_186, %select_n3A_163 : vector<128x2048xi1>, vector<128x2048xf32>
    %reduce_min3A_188 = arith.constant dense<0x7F800000> : vector<128xf32>
    %reduce_min3A_189 = vector.multi_reduction <minimumf>, %select_n3A_187, %reduce_min3A_188 [1] : vector<128x2048xf32> to vector<128xf32>
    %broadcast_in_dim3A_190 = vector.shape_cast %reduce_min3A_189 : vector<128xf32> to vector<128x1xf32>
    %eq3A_191 = vector.broadcast %broadcast_in_dim3A_190 : vector<128x1xf32> to vector<128x2048xf32>
    %eq3A_192 = arith.cmpf oeq, %select_n3A_187, %eq3A_191 : vector<128x2048xf32>
    %jit3A_193 = arith.constant 2048 : i32
    %broadcast_in_dim3A_194 = vector.broadcast %jit3A_193 : i32 to vector<128x2048xi32>
    %select_n3A_195 = arith.select %eq3A_192, %iota3A, %broadcast_in_dim3A_194 : vector<128x2048xi1>, vector<128x2048xi32>
    %reduce_min3A_196 = arith.constant dense<2147483647> : vector<128xi32>
    %reduce_min3A_197 = vector.multi_reduction <minsi>, %select_n3A_195, %reduce_min3A_196 [1] : vector<128x2048xi32> to vector<128xi32>
    %broadcast_in_dim3A_198 = vector.shape_cast %reduce_min3A_197 : vector<128xi32> to vector<128x1xi32>
    %squeeze3A_199 = vector.shape_cast %broadcast_in_dim3A_198 : vector<128x1xi32> to vector<128xi32>
    %swap3A_200 = arith.constant 0 : index
    %swap3A_201 = arith.constant 0 : index
    %swap3A_202 = arith.constant 8 : index
    %swap3A_203 = vector.load %arg3[%swap3A_200, %swap3A_201, %swap3A_202] : memref<1x128x32xi32, #tpu.memory_space<vmem>>, vector<1x128x1xi32>
    %swap3A_204 = vector.shape_cast %swap3A_203 : vector<1x128x1xi32> to vector<128xi32>
    %swap3A_205 = vector.shape_cast %squeeze3A_199 : vector<128xi32> to vector<1x128x1xi32>
    tpu.vector_store %arg3[%swap3A_200, %swap3A_201, %swap3A_202], %swap3A_205 {strides = array<i32>} : memref<1x128x32xi32, #tpu.memory_space<vmem>>, vector<1x128x1xi32>,
    %eq3A_206 = vector.broadcast %broadcast_in_dim3A_198 : vector<128x1xi32> to vector<128x2048xi32>
    %eq3A_207 = arith.cmpi eq, %iota3A, %eq3A_206 : vector<128x2048xi32>
    %and3A_208 = arith.andi %eq3A_192, %eq3A_207 : vector<128x2048xi1>
    %jit3A_209 = arith.constant 0x7F800000 : f32
    %broadcast_in_dim3A_210 = vector.broadcast %jit3A_209 : f32 to vector<128x2048xf32>
    %select_n3A_211 = arith.select %and3A_208, %broadcast_in_dim3A_210, %select_n3A_187 : vector<128x2048xi1>, vector<128x2048xf32>
    %reduce_min3A_212 = arith.constant dense<0x7F800000> : vector<128xf32>
    %reduce_min3A_213 = vector.multi_reduction <minimumf>, %select_n3A_211, %reduce_min3A_212 [1] : vector<128x2048xf32> to vector<128xf32>
    %broadcast_in_dim3A_214 = vector.shape_cast %reduce_min3A_213 : vector<128xf32> to vector<128x1xf32>
    %eq3A_215 = vector.broadcast %broadcast_in_dim3A_214 : vector<128x1xf32> to vector<128x2048xf32>
    %eq3A_216 = arith.cmpf oeq, %select_n3A_211, %eq3A_215 : vector<128x2048xf32>
    %jit3A_217 = arith.constant 2048 : i32
    %broadcast_in_dim3A_218 = vector.broadcast %jit3A_217 : i32 to vector<128x2048xi32>
    %select_n3A_219 = arith.select %eq3A_216, %iota3A, %broadcast_in_dim3A_218 : vector<128x2048xi1>, vector<128x2048xi32>
    %reduce_min3A_220 = arith.constant dense<2147483647> : vector<128xi32>
    %reduce_min3A_221 = vector.multi_reduction <minsi>, %select_n3A_219, %reduce_min3A_220 [1] : vector<128x2048xi32> to vector<128xi32>
    %broadcast_in_dim3A_222 = vector.shape_cast %reduce_min3A_221 : vector<128xi32> to vector<128x1xi32>
    %squeeze3A_223 = vector.shape_cast %broadcast_in_dim3A_222 : vector<128x1xi32> to vector<128xi32>
    %swap3A_224 = arith.constant 0 : index
    %swap3A_225 = arith.constant 0 : index
    %swap3A_226 = arith.constant 9 : index
    %swap3A_227 = vector.load %arg3[%swap3A_224, %swap3A_225, %swap3A_226] : memref<1x128x32xi32, #tpu.memory_space<vmem>>, vector<1x128x1xi32>
    %swap3A_228 = vector.shape_cast %swap3A_227 : vector<1x128x1xi32> to vector<128xi32>
    %swap3A_229 = vector.shape_cast %squeeze3A_223 : vector<128xi32> to vector<1x128x1xi32>
    tpu.vector_store %arg3[%swap3A_224, %swap3A_225, %swap3A_226], %swap3A_229 {strides = array<i32>} : memref<1x128x32xi32, #tpu.memory_space<vmem>>, vector<1x128x1xi32>,
    %eq3A_230 = vector.broadcast %broadcast_in_dim3A_222 : vector<128x1xi32> to vector<128x2048xi32>
    %eq3A_231 = arith.cmpi eq, %iota3A, %eq3A_230 : vector<128x2048xi32>
    %and3A_232 = arith.andi %eq3A_216, %eq3A_231 : vector<128x2048xi1>
    %jit3A_233 = arith.constant 0x7F800000 : f32
    %broadcast_in_dim3A_234 = vector.broadcast %jit3A_233 : f32 to vector<128x2048xf32>
    %select_n3A_235 = arith.select %and3A_232, %broadcast_in_dim3A_234, %select_n3A_211 : vector<128x2048xi1>, vector<128x2048xf32>
    %reduce_min3A_236 = arith.constant dense<0x7F800000> : vector<128xf32>
    %reduce_min3A_237 = vector.multi_reduction <minimumf>, %select_n3A_235, %reduce_min3A_236 [1] : vector<128x2048xf32> to vector<128xf32>
    %broadcast_in_dim3A_238 = vector.shape_cast %reduce_min3A_237 : vector<128xf32> to vector<128x1xf32>
    %eq3A_239 = vector.broadcast %broadcast_in_dim3A_238 : vector<128x1xf32> to vector<128x2048xf32>
    %eq3A_240 = arith.cmpf oeq, %select_n3A_235, %eq3A_239 : vector<128x2048xf32>
    %jit3A_241 = arith.constant 2048 : i32
    %broadcast_in_dim3A_242 = vector.broadcast %jit3A_241 : i32 to vector<128x2048xi32>
    %select_n3A_243 = arith.select %eq3A_240, %iota3A, %broadcast_in_dim3A_242 : vector<128x2048xi1>, vector<128x2048xi32>
    %reduce_min3A_244 = arith.constant dense<2147483647> : vector<128xi32>
    %reduce_min3A_245 = vector.multi_reduction <minsi>, %select_n3A_243, %reduce_min3A_244 [1] : vector<128x2048xi32> to vector<128xi32>
    %broadcast_in_dim3A_246 = vector.shape_cast %reduce_min3A_245 : vector<128xi32> to vector<128x1xi32>
    %squeeze3A_247 = vector.shape_cast %broadcast_in_dim3A_246 : vector<128x1xi32> to vector<128xi32>
    %swap3A_248 = arith.constant 0 : index
    %swap3A_249 = arith.constant 0 : index
    %swap3A_250 = arith.constant 10 : index
    %swap3A_251 = vector.load %arg3[%swap3A_248, %swap3A_249, %swap3A_250] : memref<1x128x32xi32, #tpu.memory_space<vmem>>, vector<1x128x1xi32>
    %swap3A_252 = vector.shape_cast %swap3A_251 : vector<1x128x1xi32> to vector<128xi32>
    %swap3A_253 = vector.shape_cast %squeeze3A_247 : vector<128xi32> to vector<1x128x1xi32>
    tpu.vector_store %arg3[%swap3A_248, %swap3A_249, %swap3A_250], %swap3A_253 {strides = array<i32>} : memref<1x128x32xi32, #tpu.memory_space<vmem>>, vector<1x128x1xi32>,
    %eq3A_254 = vector.broadcast %broadcast_in_dim3A_246 : vector<128x1xi32> to vector<128x2048xi32>
    %eq3A_255 = arith.cmpi eq, %iota3A, %eq3A_254 : vector<128x2048xi32>
    %and3A_256 = arith.andi %eq3A_240, %eq3A_255 : vector<128x2048xi1>
    %jit3A_257 = arith.constant 0x7F800000 : f32
    %broadcast_in_dim3A_258 = vector.broadcast %jit3A_257 : f32 to vector<128x2048xf32>
    %select_n3A_259 = arith.select %and3A_256, %broadcast_in_dim3A_258, %select_n3A_235 : vector<128x2048xi1>, vector<128x2048xf32>
    %reduce_min3A_260 = arith.constant dense<0x7F800000> : vector<128xf32>
    %reduce_min3A_261 = vector.multi_reduction <minimumf>, %select_n3A_259, %reduce_min3A_260 [1] : vector<128x2048xf32> to vector<128xf32>
    %broadcast_in_dim3A_262 = vector.shape_cast %reduce_min3A_261 : vector<128xf32> to vector<128x1xf32>
    %eq3A_263 = vector.broadcast %broadcast_in_dim3A_262 : vector<128x1xf32> to vector<128x2048xf32>
    %eq3A_264 = arith.cmpf oeq, %select_n3A_259, %eq3A_263 : vector<128x2048xf32>
    %jit3A_265 = arith.constant 2048 : i32
    %broadcast_in_dim3A_266 = vector.broadcast %jit3A_265 : i32 to vector<128x2048xi32>
    %select_n3A_267 = arith.select %eq3A_264, %iota3A, %broadcast_in_dim3A_266 : vector<128x2048xi1>, vector<128x2048xi32>
    %reduce_min3A_268 = arith.constant dense<2147483647> : vector<128xi32>
    %reduce_min3A_269 = vector.multi_reduction <minsi>, %select_n3A_267, %reduce_min3A_268 [1] : vector<128x2048xi32> to vector<128xi32>
    %broadcast_in_dim3A_270 = vector.shape_cast %reduce_min3A_269 : vector<128xi32> to vector<128x1xi32>
    %squeeze3A_271 = vector.shape_cast %broadcast_in_dim3A_270 : vector<128x1xi32> to vector<128xi32>
    %swap3A_272 = arith.constant 0 : index
    %swap3A_273 = arith.constant 0 : index
    %swap3A_274 = arith.constant 11 : index
    %swap3A_275 = vector.load %arg3[%swap3A_272, %swap3A_273, %swap3A_274] : memref<1x128x32xi32, #tpu.memory_space<vmem>>, vector<1x128x1xi32>
    %swap3A_276 = vector.shape_cast %swap3A_275 : vector<1x128x1xi32> to vector<128xi32>
    %swap3A_277 = vector.shape_cast %squeeze3A_271 : vector<128xi32> to vector<1x128x1xi32>
    tpu.vector_store %arg3[%swap3A_272, %swap3A_273, %swap3A_274], %swap3A_277 {strides = array<i32>} : memref<1x128x32xi32, #tpu.memory_space<vmem>>, vector<1x128x1xi32>,
    %eq3A_278 = vector.broadcast %broadcast_in_dim3A_270 : vector<128x1xi32> to vector<128x2048xi32>
    %eq3A_279 = arith.cmpi eq, %iota3A, %eq3A_278 : vector<128x2048xi32>
    %and3A_280 = arith.andi %eq3A_264, %eq3A_279 : vector<128x2048xi1>
    %jit3A_281 = arith.constant 0x7F800000 : f32
    %broadcast_in_dim3A_282 = vector.broadcast %jit3A_281 : f32 to vector<128x2048xf32>
    %select_n3A_283 = arith.select %and3A_280, %broadcast_in_dim3A_282, %select_n3A_259 : vector<128x2048xi1>, vector<128x2048xf32>
    %reduce_min3A_284 = arith.constant dense<0x7F800000> : vector<128xf32>
    %reduce_min3A_285 = vector.multi_reduction <minimumf>, %select_n3A_283, %reduce_min3A_284 [1] : vector<128x2048xf32> to vector<128xf32>
    %broadcast_in_dim3A_286 = vector.shape_cast %reduce_min3A_285 : vector<128xf32> to vector<128x1xf32>
    %eq3A_287 = vector.broadcast %broadcast_in_dim3A_286 : vector<128x1xf32> to vector<128x2048xf32>
    %eq3A_288 = arith.cmpf oeq, %select_n3A_283, %eq3A_287 : vector<128x2048xf32>
    %jit3A_289 = arith.constant 2048 : i32
    %broadcast_in_dim3A_290 = vector.broadcast %jit3A_289 : i32 to vector<128x2048xi32>
    %select_n3A_291 = arith.select %eq3A_288, %iota3A, %broadcast_in_dim3A_290 : vector<128x2048xi1>, vector<128x2048xi32>
    %reduce_min3A_292 = arith.constant dense<2147483647> : vector<128xi32>
    %reduce_min3A_293 = vector.multi_reduction <minsi>, %select_n3A_291, %reduce_min3A_292 [1] : vector<128x2048xi32> to vector<128xi32>
    %broadcast_in_dim3A_294 = vector.shape_cast %reduce_min3A_293 : vector<128xi32> to vector<128x1xi32>
    %squeeze3A_295 = vector.shape_cast %broadcast_in_dim3A_294 : vector<128x1xi32> to vector<128xi32>
    %swap3A_296 = arith.constant 0 : index
    %swap3A_297 = arith.constant 0 : index
    %swap3A_298 = arith.constant 12 : index
    %swap3A_299 = vector.load %arg3[%swap3A_296, %swap3A_297, %swap3A_298] : memref<1x128x32xi32, #tpu.memory_space<vmem>>, vector<1x128x1xi32>
    %swap3A_300 = vector.shape_cast %swap3A_299 : vector<1x128x1xi32> to vector<128xi32>
    %swap3A_301 = vector.shape_cast %squeeze3A_295 : vector<128xi32> to vector<1x128x1xi32>
    tpu.vector_store %arg3[%swap3A_296, %swap3A_297, %swap3A_298], %swap3A_301 {strides = array<i32>} : memref<1x128x32xi32, #tpu.memory_space<vmem>>, vector<1x128x1xi32>,
    %eq3A_302 = vector.broadcast %broadcast_in_dim3A_294 : vector<128x1xi32> to vector<128x2048xi32>
    %eq3A_303 = arith.cmpi eq, %iota3A, %eq3A_302 : vector<128x2048xi32>
    %and3A_304 = arith.andi %eq3A_288, %eq3A_303 : vector<128x2048xi1>
    %jit3A_305 = arith.constant 0x7F800000 : f32
    %broadcast_in_dim3A_306 = vector.broadcast %jit3A_305 : f32 to vector<128x2048xf32>
    %select_n3A_307 = arith.select %and3A_304, %broadcast_in_dim3A_306, %select_n3A_283 : vector<128x2048xi1>, vector<128x2048xf32>
    %reduce_min3A_308 = arith.constant dense<0x7F800000> : vector<128xf32>
    %reduce_min3A_309 = vector.multi_reduction <minimumf>, %select_n3A_307, %reduce_min3A_308 [1] : vector<128x2048xf32> to vector<128xf32>
    %broadcast_in_dim3A_310 = vector.shape_cast %reduce_min3A_309 : vector<128xf32> to vector<128x1xf32>
    %eq3A_311 = vector.broadcast %broadcast_in_dim3A_310 : vector<128x1xf32> to vector<128x2048xf32>
    %eq3A_312 = arith.cmpf oeq, %select_n3A_307, %eq3A_311 : vector<128x2048xf32>
    %jit3A_313 = arith.constant 2048 : i32
    %broadcast_in_dim3A_314 = vector.broadcast %jit3A_313 : i32 to vector<128x2048xi32>
    %select_n3A_315 = arith.select %eq3A_312, %iota3A, %broadcast_in_dim3A_314 : vector<128x2048xi1>, vector<128x2048xi32>
    %reduce_min3A_316 = arith.constant dense<2147483647> : vector<128xi32>
    %reduce_min3A_317 = vector.multi_reduction <minsi>, %select_n3A_315, %reduce_min3A_316 [1] : vector<128x2048xi32> to vector<128xi32>
    %broadcast_in_dim3A_318 = vector.shape_cast %reduce_min3A_317 : vector<128xi32> to vector<128x1xi32>
    %squeeze3A_319 = vector.shape_cast %broadcast_in_dim3A_318 : vector<128x1xi32> to vector<128xi32>
    %swap3A_320 = arith.constant 0 : index
    %swap3A_321 = arith.constant 0 : index
    %swap3A_322 = arith.constant 13 : index
    %swap3A_323 = vector.load %arg3[%swap3A_320, %swap3A_321, %swap3A_322] : memref<1x128x32xi32, #tpu.memory_space<vmem>>, vector<1x128x1xi32>
    %swap3A_324 = vector.shape_cast %swap3A_323 : vector<1x128x1xi32> to vector<128xi32>
    %swap3A_325 = vector.shape_cast %squeeze3A_319 : vector<128xi32> to vector<1x128x1xi32>
    tpu.vector_store %arg3[%swap3A_320, %swap3A_321, %swap3A_322], %swap3A_325 {strides = array<i32>} : memref<1x128x32xi32, #tpu.memory_space<vmem>>, vector<1x128x1xi32>,
    %eq3A_326 = vector.broadcast %broadcast_in_dim3A_318 : vector<128x1xi32> to vector<128x2048xi32>
    %eq3A_327 = arith.cmpi eq, %iota3A, %eq3A_326 : vector<128x2048xi32>
    %and3A_328 = arith.andi %eq3A_312, %eq3A_327 : vector<128x2048xi1>
    %jit3A_329 = arith.constant 0x7F800000 : f32
    %broadcast_in_dim3A_330 = vector.broadcast %jit3A_329 : f32 to vector<128x2048xf32>
    %select_n3A_331 = arith.select %and3A_328, %broadcast_in_dim3A_330, %select_n3A_307 : vector<128x2048xi1>, vector<128x2048xf32>
    %reduce_min3A_332 = arith.constant dense<0x7F800000> : vector<128xf32>
    %reduce_min3A_333 = vector.multi_reduction <minimumf>, %select_n3A_331, %reduce_min3A_332 [1] : vector<128x2048xf32> to vector<128xf32>
    %broadcast_in_dim3A_334 = vector.shape_cast %reduce_min3A_333 : vector<128xf32> to vector<128x1xf32>
    %eq3A_335 = vector.broadcast %broadcast_in_dim3A_334 : vector<128x1xf32> to vector<128x2048xf32>
    %eq3A_336 = arith.cmpf oeq, %select_n3A_331, %eq3A_335 : vector<128x2048xf32>
    %jit3A_337 = arith.constant 2048 : i32
    %broadcast_in_dim3A_338 = vector.broadcast %jit3A_337 : i32 to vector<128x2048xi32>
    %select_n3A_339 = arith.select %eq3A_336, %iota3A, %broadcast_in_dim3A_338 : vector<128x2048xi1>, vector<128x2048xi32>
    %reduce_min3A_340 = arith.constant dense<2147483647> : vector<128xi32>
    %reduce_min3A_341 = vector.multi_reduction <minsi>, %select_n3A_339, %reduce_min3A_340 [1] : vector<128x2048xi32> to vector<128xi32>
    %broadcast_in_dim3A_342 = vector.shape_cast %reduce_min3A_341 : vector<128xi32> to vector<128x1xi32>
    %squeeze3A_343 = vector.shape_cast %broadcast_in_dim3A_342 : vector<128x1xi32> to vector<128xi32>
    %swap3A_344 = arith.constant 0 : index
    %swap3A_345 = arith.constant 0 : index
    %swap3A_346 = arith.constant 14 : index
    %swap3A_347 = vector.load %arg3[%swap3A_344, %swap3A_345, %swap3A_346] : memref<1x128x32xi32, #tpu.memory_space<vmem>>, vector<1x128x1xi32>
    %swap3A_348 = vector.shape_cast %swap3A_347 : vector<1x128x1xi32> to vector<128xi32>
    %swap3A_349 = vector.shape_cast %squeeze3A_343 : vector<128xi32> to vector<1x128x1xi32>
    tpu.vector_store %arg3[%swap3A_344, %swap3A_345, %swap3A_346], %swap3A_349 {strides = array<i32>} : memref<1x128x32xi32, #tpu.memory_space<vmem>>, vector<1x128x1xi32>,
    %eq3A_350 = vector.broadcast %broadcast_in_dim3A_342 : vector<128x1xi32> to vector<128x2048xi32>
    %eq3A_351 = arith.cmpi eq, %iota3A, %eq3A_350 : vector<128x2048xi32>
    %and3A_352 = arith.andi %eq3A_336, %eq3A_351 : vector<128x2048xi1>
    %jit3A_353 = arith.constant 0x7F800000 : f32
    %broadcast_in_dim3A_354 = vector.broadcast %jit3A_353 : f32 to vector<128x2048xf32>
    %select_n3A_355 = arith.select %and3A_352, %broadcast_in_dim3A_354, %select_n3A_331 : vector<128x2048xi1>, vector<128x2048xf32>
    %reduce_min3A_356 = arith.constant dense<0x7F800000> : vector<128xf32>
    %reduce_min3A_357 = vector.multi_reduction <minimumf>, %select_n3A_355, %reduce_min3A_356 [1] : vector<128x2048xf32> to vector<128xf32>
    %broadcast_in_dim3A_358 = vector.shape_cast %reduce_min3A_357 : vector<128xf32> to vector<128x1xf32>
    %eq3A_359 = vector.broadcast %broadcast_in_dim3A_358 : vector<128x1xf32> to vector<128x2048xf32>
    %eq3A_360 = arith.cmpf oeq, %select_n3A_355, %eq3A_359 : vector<128x2048xf32>
    %jit3A_361 = arith.constant 2048 : i32
    %broadcast_in_dim3A_362 = vector.broadcast %jit3A_361 : i32 to vector<128x2048xi32>
    %select_n3A_363 = arith.select %eq3A_360, %iota3A, %broadcast_in_dim3A_362 : vector<128x2048xi1>, vector<128x2048xi32>
    %reduce_min3A_364 = arith.constant dense<2147483647> : vector<128xi32>
    %reduce_min3A_365 = vector.multi_reduction <minsi>, %select_n3A_363, %reduce_min3A_364 [1] : vector<128x2048xi32> to vector<128xi32>
    %broadcast_in_dim3A_366 = vector.shape_cast %reduce_min3A_365 : vector<128xi32> to vector<128x1xi32>
    %squeeze3A_367 = vector.shape_cast %broadcast_in_dim3A_366 : vector<128x1xi32> to vector<128xi32>
    %swap3A_368 = arith.constant 0 : index
    %swap3A_369 = arith.constant 0 : index
    %swap3A_370 = arith.constant 15 : index
    %swap3A_371 = vector.load %arg3[%swap3A_368, %swap3A_369, %swap3A_370] : memref<1x128x32xi32, #tpu.memory_space<vmem>>, vector<1x128x1xi32>
    %swap3A_372 = vector.shape_cast %swap3A_371 : vector<1x128x1xi32> to vector<128xi32>
    %swap3A_373 = vector.shape_cast %squeeze3A_367 : vector<128xi32> to vector<1x128x1xi32>
    tpu.vector_store %arg3[%swap3A_368, %swap3A_369, %swap3A_370], %swap3A_373 {strides = array<i32>} : memref<1x128x32xi32, #tpu.memory_space<vmem>>, vector<1x128x1xi32>,
    %eq3A_374 = vector.broadcast %broadcast_in_dim3A_366 : vector<128x1xi32> to vector<128x2048xi32>
    %eq3A_375 = arith.cmpi eq, %iota3A, %eq3A_374 : vector<128x2048xi32>
    %and3A_376 = arith.andi %eq3A_360, %eq3A_375 : vector<128x2048xi1>
    %jit3A_377 = arith.constant 0x7F800000 : f32
    %broadcast_in_dim3A_378 = vector.broadcast %jit3A_377 : f32 to vector<128x2048xf32>
    %select_n3A_379 = arith.select %and3A_376, %broadcast_in_dim3A_378, %select_n3A_355 : vector<128x2048xi1>, vector<128x2048xf32>
    %reduce_min3A_380 = arith.constant dense<0x7F800000> : vector<128xf32>
    %reduce_min3A_381 = vector.multi_reduction <minimumf>, %select_n3A_379, %reduce_min3A_380 [1] : vector<128x2048xf32> to vector<128xf32>
    %broadcast_in_dim3A_382 = vector.shape_cast %reduce_min3A_381 : vector<128xf32> to vector<128x1xf32>
    %eq3A_383 = vector.broadcast %broadcast_in_dim3A_382 : vector<128x1xf32> to vector<128x2048xf32>
    %eq3A_384 = arith.cmpf oeq, %select_n3A_379, %eq3A_383 : vector<128x2048xf32>
    %jit3A_385 = arith.constant 2048 : i32
    %broadcast_in_dim3A_386 = vector.broadcast %jit3A_385 : i32 to vector<128x2048xi32>
    %select_n3A_387 = arith.select %eq3A_384, %iota3A, %broadcast_in_dim3A_386 : vector<128x2048xi1>, vector<128x2048xi32>
    %reduce_min3A_388 = arith.constant dense<2147483647> : vector<128xi32>
    %reduce_min3A_389 = vector.multi_reduction <minsi>, %select_n3A_387, %reduce_min3A_388 [1] : vector<128x2048xi32> to vector<128xi32>
    %broadcast_in_dim3A_390 = vector.shape_cast %reduce_min3A_389 : vector<128xi32> to vector<128x1xi32>
    %squeeze3A_391 = vector.shape_cast %broadcast_in_dim3A_390 : vector<128x1xi32> to vector<128xi32>
    %swap3A_392 = arith.constant 0 : index
    %swap3A_393 = arith.constant 0 : index
    %swap3A_394 = arith.constant 16 : index
    %swap3A_395 = vector.load %arg3[%swap3A_392, %swap3A_393, %swap3A_394] : memref<1x128x32xi32, #tpu.memory_space<vmem>>, vector<1x128x1xi32>
    %swap3A_396 = vector.shape_cast %swap3A_395 : vector<1x128x1xi32> to vector<128xi32>
    %swap3A_397 = vector.shape_cast %squeeze3A_391 : vector<128xi32> to vector<1x128x1xi32>
    tpu.vector_store %arg3[%swap3A_392, %swap3A_393, %swap3A_394], %swap3A_397 {strides = array<i32>} : memref<1x128x32xi32, #tpu.memory_space<vmem>>, vector<1x128x1xi32>,
    %eq3A_398 = vector.broadcast %broadcast_in_dim3A_390 : vector<128x1xi32> to vector<128x2048xi32>
    %eq3A_399 = arith.cmpi eq, %iota3A, %eq3A_398 : vector<128x2048xi32>
    %and3A_400 = arith.andi %eq3A_384, %eq3A_399 : vector<128x2048xi1>
    %jit3A_401 = arith.constant 0x7F800000 : f32
    %broadcast_in_dim3A_402 = vector.broadcast %jit3A_401 : f32 to vector<128x2048xf32>
    %select_n3A_403 = arith.select %and3A_400, %broadcast_in_dim3A_402, %select_n3A_379 : vector<128x2048xi1>, vector<128x2048xf32>
    %reduce_min3A_404 = arith.constant dense<0x7F800000> : vector<128xf32>
    %reduce_min3A_405 = vector.multi_reduction <minimumf>, %select_n3A_403, %reduce_min3A_404 [1] : vector<128x2048xf32> to vector<128xf32>
    %broadcast_in_dim3A_406 = vector.shape_cast %reduce_min3A_405 : vector<128xf32> to vector<128x1xf32>
    %eq3A_407 = vector.broadcast %broadcast_in_dim3A_406 : vector<128x1xf32> to vector<128x2048xf32>
    %eq3A_408 = arith.cmpf oeq, %select_n3A_403, %eq3A_407 : vector<128x2048xf32>
    %jit3A_409 = arith.constant 2048 : i32
    %broadcast_in_dim3A_410 = vector.broadcast %jit3A_409 : i32 to vector<128x2048xi32>
    %select_n3A_411 = arith.select %eq3A_408, %iota3A, %broadcast_in_dim3A_410 : vector<128x2048xi1>, vector<128x2048xi32>
    %reduce_min3A_412 = arith.constant dense<2147483647> : vector<128xi32>
    %reduce_min3A_413 = vector.multi_reduction <minsi>, %select_n3A_411, %reduce_min3A_412 [1] : vector<128x2048xi32> to vector<128xi32>
    %broadcast_in_dim3A_414 = vector.shape_cast %reduce_min3A_413 : vector<128xi32> to vector<128x1xi32>
    %squeeze3A_415 = vector.shape_cast %broadcast_in_dim3A_414 : vector<128x1xi32> to vector<128xi32>
    %swap3A_416 = arith.constant 0 : index
    %swap3A_417 = arith.constant 0 : index
    %swap3A_418 = arith.constant 17 : index
    %swap3A_419 = vector.load %arg3[%swap3A_416, %swap3A_417, %swap3A_418] : memref<1x128x32xi32, #tpu.memory_space<vmem>>, vector<1x128x1xi32>
    %swap3A_420 = vector.shape_cast %swap3A_419 : vector<1x128x1xi32> to vector<128xi32>
    %swap3A_421 = vector.shape_cast %squeeze3A_415 : vector<128xi32> to vector<1x128x1xi32>
    tpu.vector_store %arg3[%swap3A_416, %swap3A_417, %swap3A_418], %swap3A_421 {strides = array<i32>} : memref<1x128x32xi32, #tpu.memory_space<vmem>>, vector<1x128x1xi32>,
    %eq3A_422 = vector.broadcast %broadcast_in_dim3A_414 : vector<128x1xi32> to vector<128x2048xi32>
    %eq3A_423 = arith.cmpi eq, %iota3A, %eq3A_422 : vector<128x2048xi32>
    %and3A_424 = arith.andi %eq3A_408, %eq3A_423 : vector<128x2048xi1>
    %jit3A_425 = arith.constant 0x7F800000 : f32
    %broadcast_in_dim3A_426 = vector.broadcast %jit3A_425 : f32 to vector<128x2048xf32>
    %select_n3A_427 = arith.select %and3A_424, %broadcast_in_dim3A_426, %select_n3A_403 : vector<128x2048xi1>, vector<128x2048xf32>
    %reduce_min3A_428 = arith.constant dense<0x7F800000> : vector<128xf32>
    %reduce_min3A_429 = vector.multi_reduction <minimumf>, %select_n3A_427, %reduce_min3A_428 [1] : vector<128x2048xf32> to vector<128xf32>
    %broadcast_in_dim3A_430 = vector.shape_cast %reduce_min3A_429 : vector<128xf32> to vector<128x1xf32>
    %eq3A_431 = vector.broadcast %broadcast_in_dim3A_430 : vector<128x1xf32> to vector<128x2048xf32>
    %eq3A_432 = arith.cmpf oeq, %select_n3A_427, %eq3A_431 : vector<128x2048xf32>
    %jit3A_433 = arith.constant 2048 : i32
    %broadcast_in_dim3A_434 = vector.broadcast %jit3A_433 : i32 to vector<128x2048xi32>
    %select_n3A_435 = arith.select %eq3A_432, %iota3A, %broadcast_in_dim3A_434 : vector<128x2048xi1>, vector<128x2048xi32>
    %reduce_min3A_436 = arith.constant dense<2147483647> : vector<128xi32>
    %reduce_min3A_437 = vector.multi_reduction <minsi>, %select_n3A_435, %reduce_min3A_436 [1] : vector<128x2048xi32> to vector<128xi32>
    %broadcast_in_dim3A_438 = vector.shape_cast %reduce_min3A_437 : vector<128xi32> to vector<128x1xi32>
    %squeeze3A_439 = vector.shape_cast %broadcast_in_dim3A_438 : vector<128x1xi32> to vector<128xi32>
    %swap3A_440 = arith.constant 0 : index
    %swap3A_441 = arith.constant 0 : index
    %swap3A_442 = arith.constant 18 : index
    %swap3A_443 = vector.load %arg3[%swap3A_440, %swap3A_441, %swap3A_442] : memref<1x128x32xi32, #tpu.memory_space<vmem>>, vector<1x128x1xi32>
    %swap3A_444 = vector.shape_cast %swap3A_443 : vector<1x128x1xi32> to vector<128xi32>
    %swap3A_445 = vector.shape_cast %squeeze3A_439 : vector<128xi32> to vector<1x128x1xi32>
    tpu.vector_store %arg3[%swap3A_440, %swap3A_441, %swap3A_442], %swap3A_445 {strides = array<i32>} : memref<1x128x32xi32, #tpu.memory_space<vmem>>, vector<1x128x1xi32>,
    %eq3A_446 = vector.broadcast %broadcast_in_dim3A_438 : vector<128x1xi32> to vector<128x2048xi32>
    %eq3A_447 = arith.cmpi eq, %iota3A, %eq3A_446 : vector<128x2048xi32>
    %and3A_448 = arith.andi %eq3A_432, %eq3A_447 : vector<128x2048xi1>
    %jit3A_449 = arith.constant 0x7F800000 : f32
    %broadcast_in_dim3A_450 = vector.broadcast %jit3A_449 : f32 to vector<128x2048xf32>
    %select_n3A_451 = arith.select %and3A_448, %broadcast_in_dim3A_450, %select_n3A_427 : vector<128x2048xi1>, vector<128x2048xf32>
    %reduce_min3A_452 = arith.constant dense<0x7F800000> : vector<128xf32>
    %reduce_min3A_453 = vector.multi_reduction <minimumf>, %select_n3A_451, %reduce_min3A_452 [1] : vector<128x2048xf32> to vector<128xf32>
    %broadcast_in_dim3A_454 = vector.shape_cast %reduce_min3A_453 : vector<128xf32> to vector<128x1xf32>
    %eq3A_455 = vector.broadcast %broadcast_in_dim3A_454 : vector<128x1xf32> to vector<128x2048xf32>
    %eq3A_456 = arith.cmpf oeq, %select_n3A_451, %eq3A_455 : vector<128x2048xf32>
    %jit3A_457 = arith.constant 2048 : i32
    %broadcast_in_dim3A_458 = vector.broadcast %jit3A_457 : i32 to vector<128x2048xi32>
    %select_n3A_459 = arith.select %eq3A_456, %iota3A, %broadcast_in_dim3A_458 : vector<128x2048xi1>, vector<128x2048xi32>
    %reduce_min3A_460 = arith.constant dense<2147483647> : vector<128xi32>
    %reduce_min3A_461 = vector.multi_reduction <minsi>, %select_n3A_459, %reduce_min3A_460 [1] : vector<128x2048xi32> to vector<128xi32>
    %broadcast_in_dim3A_462 = vector.shape_cast %reduce_min3A_461 : vector<128xi32> to vector<128x1xi32>
    %squeeze3A_463 = vector.shape_cast %broadcast_in_dim3A_462 : vector<128x1xi32> to vector<128xi32>
    %swap3A_464 = arith.constant 0 : index
    %swap3A_465 = arith.constant 0 : index
    %swap3A_466 = arith.constant 19 : index
    %swap3A_467 = vector.load %arg3[%swap3A_464, %swap3A_465, %swap3A_466] : memref<1x128x32xi32, #tpu.memory_space<vmem>>, vector<1x128x1xi32>
    %swap3A_468 = vector.shape_cast %swap3A_467 : vector<1x128x1xi32> to vector<128xi32>
    %swap3A_469 = vector.shape_cast %squeeze3A_463 : vector<128xi32> to vector<1x128x1xi32>
    tpu.vector_store %arg3[%swap3A_464, %swap3A_465, %swap3A_466], %swap3A_469 {strides = array<i32>} : memref<1x128x32xi32, #tpu.memory_space<vmem>>, vector<1x128x1xi32>,
    %eq3A_470 = vector.broadcast %broadcast_in_dim3A_462 : vector<128x1xi32> to vector<128x2048xi32>
    %eq3A_471 = arith.cmpi eq, %iota3A, %eq3A_470 : vector<128x2048xi32>
    %and3A_472 = arith.andi %eq3A_456, %eq3A_471 : vector<128x2048xi1>
    %jit3A_473 = arith.constant 0x7F800000 : f32
    %broadcast_in_dim3A_474 = vector.broadcast %jit3A_473 : f32 to vector<128x2048xf32>
    %select_n3A_475 = arith.select %and3A_472, %broadcast_in_dim3A_474, %select_n3A_451 : vector<128x2048xi1>, vector<128x2048xf32>
    %reduce_min3A_476 = arith.constant dense<0x7F800000> : vector<128xf32>
    %reduce_min3A_477 = vector.multi_reduction <minimumf>, %select_n3A_475, %reduce_min3A_476 [1] : vector<128x2048xf32> to vector<128xf32>
    %broadcast_in_dim3A_478 = vector.shape_cast %reduce_min3A_477 : vector<128xf32> to vector<128x1xf32>
    %eq3A_479 = vector.broadcast %broadcast_in_dim3A_478 : vector<128x1xf32> to vector<128x2048xf32>
    %eq3A_480 = arith.cmpf oeq, %select_n3A_475, %eq3A_479 : vector<128x2048xf32>
    %jit3A_481 = arith.constant 2048 : i32
    %broadcast_in_dim3A_482 = vector.broadcast %jit3A_481 : i32 to vector<128x2048xi32>
    %select_n3A_483 = arith.select %eq3A_480, %iota3A, %broadcast_in_dim3A_482 : vector<128x2048xi1>, vector<128x2048xi32>
    %reduce_min3A_484 = arith.constant dense<2147483647> : vector<128xi32>
    %reduce_min3A_485 = vector.multi_reduction <minsi>, %select_n3A_483, %reduce_min3A_484 [1] : vector<128x2048xi32> to vector<128xi32>
    %broadcast_in_dim3A_486 = vector.shape_cast %reduce_min3A_485 : vector<128xi32> to vector<128x1xi32>
    %squeeze3A_487 = vector.shape_cast %broadcast_in_dim3A_486 : vector<128x1xi32> to vector<128xi32>
    %swap3A_488 = arith.constant 0 : index
    %swap3A_489 = arith.constant 0 : index
    %swap3A_490 = arith.constant 20 : index
    %swap3A_491 = vector.load %arg3[%swap3A_488, %swap3A_489, %swap3A_490] : memref<1x128x32xi32, #tpu.memory_space<vmem>>, vector<1x128x1xi32>
    %swap3A_492 = vector.shape_cast %swap3A_491 : vector<1x128x1xi32> to vector<128xi32>
    %swap3A_493 = vector.shape_cast %squeeze3A_487 : vector<128xi32> to vector<1x128x1xi32>
    tpu.vector_store %arg3[%swap3A_488, %swap3A_489, %swap3A_490], %swap3A_493 {strides = array<i32>} : memref<1x128x32xi32, #tpu.memory_space<vmem>>, vector<1x128x1xi32>,
    %eq3A_494 = vector.broadcast %broadcast_in_dim3A_486 : vector<128x1xi32> to vector<128x2048xi32>
    %eq3A_495 = arith.cmpi eq, %iota3A, %eq3A_494 : vector<128x2048xi32>
    %and3A_496 = arith.andi %eq3A_480, %eq3A_495 : vector<128x2048xi1>
    %jit3A_497 = arith.constant 0x7F800000 : f32
    %broadcast_in_dim3A_498 = vector.broadcast %jit3A_497 : f32 to vector<128x2048xf32>
    %select_n3A_499 = arith.select %and3A_496, %broadcast_in_dim3A_498, %select_n3A_475 : vector<128x2048xi1>, vector<128x2048xf32>
    %reduce_min3A_500 = arith.constant dense<0x7F800000> : vector<128xf32>
    %reduce_min3A_501 = vector.multi_reduction <minimumf>, %select_n3A_499, %reduce_min3A_500 [1] : vector<128x2048xf32> to vector<128xf32>
    %broadcast_in_dim3A_502 = vector.shape_cast %reduce_min3A_501 : vector<128xf32> to vector<128x1xf32>
    %eq3A_503 = vector.broadcast %broadcast_in_dim3A_502 : vector<128x1xf32> to vector<128x2048xf32>
    %eq3A_504 = arith.cmpf oeq, %select_n3A_499, %eq3A_503 : vector<128x2048xf32>
    %jit3A_505 = arith.constant 2048 : i32
    %broadcast_in_dim3A_506 = vector.broadcast %jit3A_505 : i32 to vector<128x2048xi32>
    %select_n3A_507 = arith.select %eq3A_504, %iota3A, %broadcast_in_dim3A_506 : vector<128x2048xi1>, vector<128x2048xi32>
    %reduce_min3A_508 = arith.constant dense<2147483647> : vector<128xi32>
    %reduce_min3A_509 = vector.multi_reduction <minsi>, %select_n3A_507, %reduce_min3A_508 [1] : vector<128x2048xi32> to vector<128xi32>
    %broadcast_in_dim3A_510 = vector.shape_cast %reduce_min3A_509 : vector<128xi32> to vector<128x1xi32>
    %squeeze3A_511 = vector.shape_cast %broadcast_in_dim3A_510 : vector<128x1xi32> to vector<128xi32>
    %swap3A_512 = arith.constant 0 : index
    %swap3A_513 = arith.constant 0 : index
    %swap3A_514 = arith.constant 21 : index
    %swap3A_515 = vector.load %arg3[%swap3A_512, %swap3A_513, %swap3A_514] : memref<1x128x32xi32, #tpu.memory_space<vmem>>, vector<1x128x1xi32>
    %swap3A_516 = vector.shape_cast %swap3A_515 : vector<1x128x1xi32> to vector<128xi32>
    %swap3A_517 = vector.shape_cast %squeeze3A_511 : vector<128xi32> to vector<1x128x1xi32>
    tpu.vector_store %arg3[%swap3A_512, %swap3A_513, %swap3A_514], %swap3A_517 {strides = array<i32>} : memref<1x128x32xi32, #tpu.memory_space<vmem>>, vector<1x128x1xi32>,
    %eq3A_518 = vector.broadcast %broadcast_in_dim3A_510 : vector<128x1xi32> to vector<128x2048xi32>
    %eq3A_519 = arith.cmpi eq, %iota3A, %eq3A_518 : vector<128x2048xi32>
    %and3A_520 = arith.andi %eq3A_504, %eq3A_519 : vector<128x2048xi1>
    %jit3A_521 = arith.constant 0x7F800000 : f32
    %broadcast_in_dim3A_522 = vector.broadcast %jit3A_521 : f32 to vector<128x2048xf32>
    %select_n3A_523 = arith.select %and3A_520, %broadcast_in_dim3A_522, %select_n3A_499 : vector<128x2048xi1>, vector<128x2048xf32>
    %reduce_min3A_524 = arith.constant dense<0x7F800000> : vector<128xf32>
    %reduce_min3A_525 = vector.multi_reduction <minimumf>, %select_n3A_523, %reduce_min3A_524 [1] : vector<128x2048xf32> to vector<128xf32>
    %broadcast_in_dim3A_526 = vector.shape_cast %reduce_min3A_525 : vector<128xf32> to vector<128x1xf32>
    %eq3A_527 = vector.broadcast %broadcast_in_dim3A_526 : vector<128x1xf32> to vector<128x2048xf32>
    %eq3A_528 = arith.cmpf oeq, %select_n3A_523, %eq3A_527 : vector<128x2048xf32>
    %jit3A_529 = arith.constant 2048 : i32
    %broadcast_in_dim3A_530 = vector.broadcast %jit3A_529 : i32 to vector<128x2048xi32>
    %select_n3A_531 = arith.select %eq3A_528, %iota3A, %broadcast_in_dim3A_530 : vector<128x2048xi1>, vector<128x2048xi32>
    %reduce_min3A_532 = arith.constant dense<2147483647> : vector<128xi32>
    %reduce_min3A_533 = vector.multi_reduction <minsi>, %select_n3A_531, %reduce_min3A_532 [1] : vector<128x2048xi32> to vector<128xi32>
    %broadcast_in_dim3A_534 = vector.shape_cast %reduce_min3A_533 : vector<128xi32> to vector<128x1xi32>
    %squeeze3A_535 = vector.shape_cast %broadcast_in_dim3A_534 : vector<128x1xi32> to vector<128xi32>
    %swap3A_536 = arith.constant 0 : index
    %swap3A_537 = arith.constant 0 : index
    %swap3A_538 = arith.constant 22 : index
    %swap3A_539 = vector.load %arg3[%swap3A_536, %swap3A_537, %swap3A_538] : memref<1x128x32xi32, #tpu.memory_space<vmem>>, vector<1x128x1xi32>
    %swap3A_540 = vector.shape_cast %swap3A_539 : vector<1x128x1xi32> to vector<128xi32>
    %swap3A_541 = vector.shape_cast %squeeze3A_535 : vector<128xi32> to vector<1x128x1xi32>
    tpu.vector_store %arg3[%swap3A_536, %swap3A_537, %swap3A_538], %swap3A_541 {strides = array<i32>} : memref<1x128x32xi32, #tpu.memory_space<vmem>>, vector<1x128x1xi32>,
    %eq3A_542 = vector.broadcast %broadcast_in_dim3A_534 : vector<128x1xi32> to vector<128x2048xi32>
    %eq3A_543 = arith.cmpi eq, %iota3A, %eq3A_542 : vector<128x2048xi32>
    %and3A_544 = arith.andi %eq3A_528, %eq3A_543 : vector<128x2048xi1>
    %jit3A_545 = arith.constant 0x7F800000 : f32
    %broadcast_in_dim3A_546 = vector.broadcast %jit3A_545 : f32 to vector<128x2048xf32>
    %select_n3A_547 = arith.select %and3A_544, %broadcast_in_dim3A_546, %select_n3A_523 : vector<128x2048xi1>, vector<128x2048xf32>
    %reduce_min3A_548 = arith.constant dense<0x7F800000> : vector<128xf32>
    %reduce_min3A_549 = vector.multi_reduction <minimumf>, %select_n3A_547, %reduce_min3A_548 [1] : vector<128x2048xf32> to vector<128xf32>
    %broadcast_in_dim3A_550 = vector.shape_cast %reduce_min3A_549 : vector<128xf32> to vector<128x1xf32>
    %eq3A_551 = vector.broadcast %broadcast_in_dim3A_550 : vector<128x1xf32> to vector<128x2048xf32>
    %eq3A_552 = arith.cmpf oeq, %select_n3A_547, %eq3A_551 : vector<128x2048xf32>
    %jit3A_553 = arith.constant 2048 : i32
    %broadcast_in_dim3A_554 = vector.broadcast %jit3A_553 : i32 to vector<128x2048xi32>
    %select_n3A_555 = arith.select %eq3A_552, %iota3A, %broadcast_in_dim3A_554 : vector<128x2048xi1>, vector<128x2048xi32>
    %reduce_min3A_556 = arith.constant dense<2147483647> : vector<128xi32>
    %reduce_min3A_557 = vector.multi_reduction <minsi>, %select_n3A_555, %reduce_min3A_556 [1] : vector<128x2048xi32> to vector<128xi32>
    %broadcast_in_dim3A_558 = vector.shape_cast %reduce_min3A_557 : vector<128xi32> to vector<128x1xi32>
    %squeeze3A_559 = vector.shape_cast %broadcast_in_dim3A_558 : vector<128x1xi32> to vector<128xi32>
    %swap3A_560 = arith.constant 0 : index
    %swap3A_561 = arith.constant 0 : index
    %swap3A_562 = arith.constant 23 : index
    %swap3A_563 = vector.load %arg3[%swap3A_560, %swap3A_561, %swap3A_562] : memref<1x128x32xi32, #tpu.memory_space<vmem>>, vector<1x128x1xi32>
    %swap3A_564 = vector.shape_cast %swap3A_563 : vector<1x128x1xi32> to vector<128xi32>
    %swap3A_565 = vector.shape_cast %squeeze3A_559 : vector<128xi32> to vector<1x128x1xi32>
    tpu.vector_store %arg3[%swap3A_560, %swap3A_561, %swap3A_562], %swap3A_565 {strides = array<i32>} : memref<1x128x32xi32, #tpu.memory_space<vmem>>, vector<1x128x1xi32>,
    %eq3A_566 = vector.broadcast %broadcast_in_dim3A_558 : vector<128x1xi32> to vector<128x2048xi32>
    %eq3A_567 = arith.cmpi eq, %iota3A, %eq3A_566 : vector<128x2048xi32>
    %and3A_568 = arith.andi %eq3A_552, %eq3A_567 : vector<128x2048xi1>
    %jit3A_569 = arith.constant 0x7F800000 : f32
    %broadcast_in_dim3A_570 = vector.broadcast %jit3A_569 : f32 to vector<128x2048xf32>
    %select_n3A_571 = arith.select %and3A_568, %broadcast_in_dim3A_570, %select_n3A_547 : vector<128x2048xi1>, vector<128x2048xf32>
    %reduce_min3A_572 = arith.constant dense<0x7F800000> : vector<128xf32>
    %reduce_min3A_573 = vector.multi_reduction <minimumf>, %select_n3A_571, %reduce_min3A_572 [1] : vector<128x2048xf32> to vector<128xf32>
    %broadcast_in_dim3A_574 = vector.shape_cast %reduce_min3A_573 : vector<128xf32> to vector<128x1xf32>
    %eq3A_575 = vector.broadcast %broadcast_in_dim3A_574 : vector<128x1xf32> to vector<128x2048xf32>
    %eq3A_576 = arith.cmpf oeq, %select_n3A_571, %eq3A_575 : vector<128x2048xf32>
    %jit3A_577 = arith.constant 2048 : i32
    %broadcast_in_dim3A_578 = vector.broadcast %jit3A_577 : i32 to vector<128x2048xi32>
    %select_n3A_579 = arith.select %eq3A_576, %iota3A, %broadcast_in_dim3A_578 : vector<128x2048xi1>, vector<128x2048xi32>
    %reduce_min3A_580 = arith.constant dense<2147483647> : vector<128xi32>
    %reduce_min3A_581 = vector.multi_reduction <minsi>, %select_n3A_579, %reduce_min3A_580 [1] : vector<128x2048xi32> to vector<128xi32>
    %broadcast_in_dim3A_582 = vector.shape_cast %reduce_min3A_581 : vector<128xi32> to vector<128x1xi32>
    %squeeze3A_583 = vector.shape_cast %broadcast_in_dim3A_582 : vector<128x1xi32> to vector<128xi32>
    %swap3A_584 = arith.constant 0 : index
    %swap3A_585 = arith.constant 0 : index
    %swap3A_586 = arith.constant 24 : index
    %swap3A_587 = vector.load %arg3[%swap3A_584, %swap3A_585, %swap3A_586] : memref<1x128x32xi32, #tpu.memory_space<vmem>>, vector<1x128x1xi32>
    %swap3A_588 = vector.shape_cast %swap3A_587 : vector<1x128x1xi32> to vector<128xi32>
    %swap3A_589 = vector.shape_cast %squeeze3A_583 : vector<128xi32> to vector<1x128x1xi32>
    tpu.vector_store %arg3[%swap3A_584, %swap3A_585, %swap3A_586], %swap3A_589 {strides = array<i32>} : memref<1x128x32xi32, #tpu.memory_space<vmem>>, vector<1x128x1xi32>,
    %eq3A_590 = vector.broadcast %broadcast_in_dim3A_582 : vector<128x1xi32> to vector<128x2048xi32>
    %eq3A_591 = arith.cmpi eq, %iota3A, %eq3A_590 : vector<128x2048xi32>
    %and3A_592 = arith.andi %eq3A_576, %eq3A_591 : vector<128x2048xi1>
    %jit3A_593 = arith.constant 0x7F800000 : f32
    %broadcast_in_dim3A_594 = vector.broadcast %jit3A_593 : f32 to vector<128x2048xf32>
    %select_n3A_595 = arith.select %and3A_592, %broadcast_in_dim3A_594, %select_n3A_571 : vector<128x2048xi1>, vector<128x2048xf32>
    %reduce_min3A_596 = arith.constant dense<0x7F800000> : vector<128xf32>
    %reduce_min3A_597 = vector.multi_reduction <minimumf>, %select_n3A_595, %reduce_min3A_596 [1] : vector<128x2048xf32> to vector<128xf32>
    %broadcast_in_dim3A_598 = vector.shape_cast %reduce_min3A_597 : vector<128xf32> to vector<128x1xf32>
    %eq3A_599 = vector.broadcast %broadcast_in_dim3A_598 : vector<128x1xf32> to vector<128x2048xf32>
    %eq3A_600 = arith.cmpf oeq, %select_n3A_595, %eq3A_599 : vector<128x2048xf32>
    %jit3A_601 = arith.constant 2048 : i32
    %broadcast_in_dim3A_602 = vector.broadcast %jit3A_601 : i32 to vector<128x2048xi32>
    %select_n3A_603 = arith.select %eq3A_600, %iota3A, %broadcast_in_dim3A_602 : vector<128x2048xi1>, vector<128x2048xi32>
    %reduce_min3A_604 = arith.constant dense<2147483647> : vector<128xi32>
    %reduce_min3A_605 = vector.multi_reduction <minsi>, %select_n3A_603, %reduce_min3A_604 [1] : vector<128x2048xi32> to vector<128xi32>
    %broadcast_in_dim3A_606 = vector.shape_cast %reduce_min3A_605 : vector<128xi32> to vector<128x1xi32>
    %squeeze3A_607 = vector.shape_cast %broadcast_in_dim3A_606 : vector<128x1xi32> to vector<128xi32>
    %swap3A_608 = arith.constant 0 : index
    %swap3A_609 = arith.constant 0 : index
    %swap3A_610 = arith.constant 25 : index
    %swap3A_611 = vector.load %arg3[%swap3A_608, %swap3A_609, %swap3A_610] : memref<1x128x32xi32, #tpu.memory_space<vmem>>, vector<1x128x1xi32>
    %swap3A_612 = vector.shape_cast %swap3A_611 : vector<1x128x1xi32> to vector<128xi32>
    %swap3A_613 = vector.shape_cast %squeeze3A_607 : vector<128xi32> to vector<1x128x1xi32>
    tpu.vector_store %arg3[%swap3A_608, %swap3A_609, %swap3A_610], %swap3A_613 {strides = array<i32>} : memref<1x128x32xi32, #tpu.memory_space<vmem>>, vector<1x128x1xi32>,
    %eq3A_614 = vector.broadcast %broadcast_in_dim3A_606 : vector<128x1xi32> to vector<128x2048xi32>
    %eq3A_615 = arith.cmpi eq, %iota3A, %eq3A_614 : vector<128x2048xi32>
    %and3A_616 = arith.andi %eq3A_600, %eq3A_615 : vector<128x2048xi1>
    %jit3A_617 = arith.constant 0x7F800000 : f32
    %broadcast_in_dim3A_618 = vector.broadcast %jit3A_617 : f32 to vector<128x2048xf32>
    %select_n3A_619 = arith.select %and3A_616, %broadcast_in_dim3A_618, %select_n3A_595 : vector<128x2048xi1>, vector<128x2048xf32>
    %reduce_min3A_620 = arith.constant dense<0x7F800000> : vector<128xf32>
    %reduce_min3A_621 = vector.multi_reduction <minimumf>, %select_n3A_619, %reduce_min3A_620 [1] : vector<128x2048xf32> to vector<128xf32>
    %broadcast_in_dim3A_622 = vector.shape_cast %reduce_min3A_621 : vector<128xf32> to vector<128x1xf32>
    %eq3A_623 = vector.broadcast %broadcast_in_dim3A_622 : vector<128x1xf32> to vector<128x2048xf32>
    %eq3A_624 = arith.cmpf oeq, %select_n3A_619, %eq3A_623 : vector<128x2048xf32>
    %jit3A_625 = arith.constant 2048 : i32
    %broadcast_in_dim3A_626 = vector.broadcast %jit3A_625 : i32 to vector<128x2048xi32>
    %select_n3A_627 = arith.select %eq3A_624, %iota3A, %broadcast_in_dim3A_626 : vector<128x2048xi1>, vector<128x2048xi32>
    %reduce_min3A_628 = arith.constant dense<2147483647> : vector<128xi32>
    %reduce_min3A_629 = vector.multi_reduction <minsi>, %select_n3A_627, %reduce_min3A_628 [1] : vector<128x2048xi32> to vector<128xi32>
    %broadcast_in_dim3A_630 = vector.shape_cast %reduce_min3A_629 : vector<128xi32> to vector<128x1xi32>
    %squeeze3A_631 = vector.shape_cast %broadcast_in_dim3A_630 : vector<128x1xi32> to vector<128xi32>
    %swap3A_632 = arith.constant 0 : index
    %swap3A_633 = arith.constant 0 : index
    %swap3A_634 = arith.constant 26 : index
    %swap3A_635 = vector.load %arg3[%swap3A_632, %swap3A_633, %swap3A_634] : memref<1x128x32xi32, #tpu.memory_space<vmem>>, vector<1x128x1xi32>
    %swap3A_636 = vector.shape_cast %swap3A_635 : vector<1x128x1xi32> to vector<128xi32>
    %swap3A_637 = vector.shape_cast %squeeze3A_631 : vector<128xi32> to vector<1x128x1xi32>
    tpu.vector_store %arg3[%swap3A_632, %swap3A_633, %swap3A_634], %swap3A_637 {strides = array<i32>} : memref<1x128x32xi32, #tpu.memory_space<vmem>>, vector<1x128x1xi32>,
    %eq3A_638 = vector.broadcast %broadcast_in_dim3A_630 : vector<128x1xi32> to vector<128x2048xi32>
    %eq3A_639 = arith.cmpi eq, %iota3A, %eq3A_638 : vector<128x2048xi32>
    %and3A_640 = arith.andi %eq3A_624, %eq3A_639 : vector<128x2048xi1>
    %jit3A_641 = arith.constant 0x7F800000 : f32
    %broadcast_in_dim3A_642 = vector.broadcast %jit3A_641 : f32 to vector<128x2048xf32>
    %select_n3A_643 = arith.select %and3A_640, %broadcast_in_dim3A_642, %select_n3A_619 : vector<128x2048xi1>, vector<128x2048xf32>
    %reduce_min3A_644 = arith.constant dense<0x7F800000> : vector<128xf32>
    %reduce_min3A_645 = vector.multi_reduction <minimumf>, %select_n3A_643, %reduce_min3A_644 [1] : vector<128x2048xf32> to vector<128xf32>
    %broadcast_in_dim3A_646 = vector.shape_cast %reduce_min3A_645 : vector<128xf32> to vector<128x1xf32>
    %eq3A_647 = vector.broadcast %broadcast_in_dim3A_646 : vector<128x1xf32> to vector<128x2048xf32>
    %eq3A_648 = arith.cmpf oeq, %select_n3A_643, %eq3A_647 : vector<128x2048xf32>
    %jit3A_649 = arith.constant 2048 : i32
    %broadcast_in_dim3A_650 = vector.broadcast %jit3A_649 : i32 to vector<128x2048xi32>
    %select_n3A_651 = arith.select %eq3A_648, %iota3A, %broadcast_in_dim3A_650 : vector<128x2048xi1>, vector<128x2048xi32>
    %reduce_min3A_652 = arith.constant dense<2147483647> : vector<128xi32>
    %reduce_min3A_653 = vector.multi_reduction <minsi>, %select_n3A_651, %reduce_min3A_652 [1] : vector<128x2048xi32> to vector<128xi32>
    %broadcast_in_dim3A_654 = vector.shape_cast %reduce_min3A_653 : vector<128xi32> to vector<128x1xi32>
    %squeeze3A_655 = vector.shape_cast %broadcast_in_dim3A_654 : vector<128x1xi32> to vector<128xi32>
    %swap3A_656 = arith.constant 0 : index
    %swap3A_657 = arith.constant 0 : index
    %swap3A_658 = arith.constant 27 : index
    %swap3A_659 = vector.load %arg3[%swap3A_656, %swap3A_657, %swap3A_658] : memref<1x128x32xi32, #tpu.memory_space<vmem>>, vector<1x128x1xi32>
    %swap3A_660 = vector.shape_cast %swap3A_659 : vector<1x128x1xi32> to vector<128xi32>
    %swap3A_661 = vector.shape_cast %squeeze3A_655 : vector<128xi32> to vector<1x128x1xi32>
    tpu.vector_store %arg3[%swap3A_656, %swap3A_657, %swap3A_658], %swap3A_661 {strides = array<i32>} : memref<1x128x32xi32, #tpu.memory_space<vmem>>, vector<1x128x1xi32>,
    %eq3A_662 = vector.broadcast %broadcast_in_dim3A_654 : vector<128x1xi32> to vector<128x2048xi32>
    %eq3A_663 = arith.cmpi eq, %iota3A, %eq3A_662 : vector<128x2048xi32>
    %and3A_664 = arith.andi %eq3A_648, %eq3A_663 : vector<128x2048xi1>
    %jit3A_665 = arith.constant 0x7F800000 : f32
    %broadcast_in_dim3A_666 = vector.broadcast %jit3A_665 : f32 to vector<128x2048xf32>
    %select_n3A_667 = arith.select %and3A_664, %broadcast_in_dim3A_666, %select_n3A_643 : vector<128x2048xi1>, vector<128x2048xf32>
    %reduce_min3A_668 = arith.constant dense<0x7F800000> : vector<128xf32>
    %reduce_min3A_669 = vector.multi_reduction <minimumf>, %select_n3A_667, %reduce_min3A_668 [1] : vector<128x2048xf32> to vector<128xf32>
    %broadcast_in_dim3A_670 = vector.shape_cast %reduce_min3A_669 : vector<128xf32> to vector<128x1xf32>
    %eq3A_671 = vector.broadcast %broadcast_in_dim3A_670 : vector<128x1xf32> to vector<128x2048xf32>
    %eq3A_672 = arith.cmpf oeq, %select_n3A_667, %eq3A_671 : vector<128x2048xf32>
    %jit3A_673 = arith.constant 2048 : i32
    %broadcast_in_dim3A_674 = vector.broadcast %jit3A_673 : i32 to vector<128x2048xi32>
    %select_n3A_675 = arith.select %eq3A_672, %iota3A, %broadcast_in_dim3A_674 : vector<128x2048xi1>, vector<128x2048xi32>
    %reduce_min3A_676 = arith.constant dense<2147483647> : vector<128xi32>
    %reduce_min3A_677 = vector.multi_reduction <minsi>, %select_n3A_675, %reduce_min3A_676 [1] : vector<128x2048xi32> to vector<128xi32>
    %broadcast_in_dim3A_678 = vector.shape_cast %reduce_min3A_677 : vector<128xi32> to vector<128x1xi32>
    %squeeze3A_679 = vector.shape_cast %broadcast_in_dim3A_678 : vector<128x1xi32> to vector<128xi32>
    %swap3A_680 = arith.constant 0 : index
    %swap3A_681 = arith.constant 0 : index
    %swap3A_682 = arith.constant 28 : index
    %swap3A_683 = vector.load %arg3[%swap3A_680, %swap3A_681, %swap3A_682] : memref<1x128x32xi32, #tpu.memory_space<vmem>>, vector<1x128x1xi32>
    %swap3A_684 = vector.shape_cast %swap3A_683 : vector<1x128x1xi32> to vector<128xi32>
    %swap3A_685 = vector.shape_cast %squeeze3A_679 : vector<128xi32> to vector<1x128x1xi32>
    tpu.vector_store %arg3[%swap3A_680, %swap3A_681, %swap3A_682], %swap3A_685 {strides = array<i32>} : memref<1x128x32xi32, #tpu.memory_space<vmem>>, vector<1x128x1xi32>,
    %eq3A_686 = vector.broadcast %broadcast_in_dim3A_678 : vector<128x1xi32> to vector<128x2048xi32>
    %eq3A_687 = arith.cmpi eq, %iota3A, %eq3A_686 : vector<128x2048xi32>
    %and3A_688 = arith.andi %eq3A_672, %eq3A_687 : vector<128x2048xi1>
    %jit3A_689 = arith.constant 0x7F800000 : f32
    %broadcast_in_dim3A_690 = vector.broadcast %jit3A_689 : f32 to vector<128x2048xf32>
    %select_n3A_691 = arith.select %and3A_688, %broadcast_in_dim3A_690, %select_n3A_667 : vector<128x2048xi1>, vector<128x2048xf32>
    %reduce_min3A_692 = arith.constant dense<0x7F800000> : vector<128xf32>
    %reduce_min3A_693 = vector.multi_reduction <minimumf>, %select_n3A_691, %reduce_min3A_692 [1] : vector<128x2048xf32> to vector<128xf32>
    %broadcast_in_dim3A_694 = vector.shape_cast %reduce_min3A_693 : vector<128xf32> to vector<128x1xf32>
    %eq3A_695 = vector.broadcast %broadcast_in_dim3A_694 : vector<128x1xf32> to vector<128x2048xf32>
    %eq3A_696 = arith.cmpf oeq, %select_n3A_691, %eq3A_695 : vector<128x2048xf32>
    %jit3A_697 = arith.constant 2048 : i32
    %broadcast_in_dim3A_698 = vector.broadcast %jit3A_697 : i32 to vector<128x2048xi32>
    %select_n3A_699 = arith.select %eq3A_696, %iota3A, %broadcast_in_dim3A_698 : vector<128x2048xi1>, vector<128x2048xi32>
    %reduce_min3A_700 = arith.constant dense<2147483647> : vector<128xi32>
    %reduce_min3A_701 = vector.multi_reduction <minsi>, %select_n3A_699, %reduce_min3A_700 [1] : vector<128x2048xi32> to vector<128xi32>
    %broadcast_in_dim3A_702 = vector.shape_cast %reduce_min3A_701 : vector<128xi32> to vector<128x1xi32>
    %squeeze3A_703 = vector.shape_cast %broadcast_in_dim3A_702 : vector<128x1xi32> to vector<128xi32>
    %swap3A_704 = arith.constant 0 : index
    %swap3A_705 = arith.constant 0 : index
    %swap3A_706 = arith.constant 29 : index
    %swap3A_707 = vector.load %arg3[%swap3A_704, %swap3A_705, %swap3A_706] : memref<1x128x32xi32, #tpu.memory_space<vmem>>, vector<1x128x1xi32>
    %swap3A_708 = vector.shape_cast %swap3A_707 : vector<1x128x1xi32> to vector<128xi32>
    %swap3A_709 = vector.shape_cast %squeeze3A_703 : vector<128xi32> to vector<1x128x1xi32>
    tpu.vector_store %arg3[%swap3A_704, %swap3A_705, %swap3A_706], %swap3A_709 {strides = array<i32>} : memref<1x128x32xi32, #tpu.memory_space<vmem>>, vector<1x128x1xi32>,
    %eq3A_710 = vector.broadcast %broadcast_in_dim3A_702 : vector<128x1xi32> to vector<128x2048xi32>
    %eq3A_711 = arith.cmpi eq, %iota3A, %eq3A_710 : vector<128x2048xi32>
    %and3A_712 = arith.andi %eq3A_696, %eq3A_711 : vector<128x2048xi1>
    %jit3A_713 = arith.constant 0x7F800000 : f32
    %broadcast_in_dim3A_714 = vector.broadcast %jit3A_713 : f32 to vector<128x2048xf32>
    %select_n3A_715 = arith.select %and3A_712, %broadcast_in_dim3A_714, %select_n3A_691 : vector<128x2048xi1>, vector<128x2048xf32>
    %reduce_min3A_716 = arith.constant dense<0x7F800000> : vector<128xf32>
    %reduce_min3A_717 = vector.multi_reduction <minimumf>, %select_n3A_715, %reduce_min3A_716 [1] : vector<128x2048xf32> to vector<128xf32>
    %broadcast_in_dim3A_718 = vector.shape_cast %reduce_min3A_717 : vector<128xf32> to vector<128x1xf32>
    %eq3A_719 = vector.broadcast %broadcast_in_dim3A_718 : vector<128x1xf32> to vector<128x2048xf32>
    %eq3A_720 = arith.cmpf oeq, %select_n3A_715, %eq3A_719 : vector<128x2048xf32>
    %jit3A_721 = arith.constant 2048 : i32
    %broadcast_in_dim3A_722 = vector.broadcast %jit3A_721 : i32 to vector<128x2048xi32>
    %select_n3A_723 = arith.select %eq3A_720, %iota3A, %broadcast_in_dim3A_722 : vector<128x2048xi1>, vector<128x2048xi32>
    %reduce_min3A_724 = arith.constant dense<2147483647> : vector<128xi32>
    %reduce_min3A_725 = vector.multi_reduction <minsi>, %select_n3A_723, %reduce_min3A_724 [1] : vector<128x2048xi32> to vector<128xi32>
    %broadcast_in_dim3A_726 = vector.shape_cast %reduce_min3A_725 : vector<128xi32> to vector<128x1xi32>
    %squeeze3A_727 = vector.shape_cast %broadcast_in_dim3A_726 : vector<128x1xi32> to vector<128xi32>
    %swap3A_728 = arith.constant 0 : index
    %swap3A_729 = arith.constant 0 : index
    %swap3A_730 = arith.constant 30 : index
    %swap3A_731 = vector.load %arg3[%swap3A_728, %swap3A_729, %swap3A_730] : memref<1x128x32xi32, #tpu.memory_space<vmem>>, vector<1x128x1xi32>
    %swap3A_732 = vector.shape_cast %swap3A_731 : vector<1x128x1xi32> to vector<128xi32>
    %swap3A_733 = vector.shape_cast %squeeze3A_727 : vector<128xi32> to vector<1x128x1xi32>
    tpu.vector_store %arg3[%swap3A_728, %swap3A_729, %swap3A_730], %swap3A_733 {strides = array<i32>} : memref<1x128x32xi32, #tpu.memory_space<vmem>>, vector<1x128x1xi32>,
    %eq3A_734 = vector.broadcast %broadcast_in_dim3A_726 : vector<128x1xi32> to vector<128x2048xi32>
    %eq3A_735 = arith.cmpi eq, %iota3A, %eq3A_734 : vector<128x2048xi32>
    %and3A_736 = arith.andi %eq3A_720, %eq3A_735 : vector<128x2048xi1>
    %jit3A_737 = arith.constant 0x7F800000 : f32
    %broadcast_in_dim3A_738 = vector.broadcast %jit3A_737 : f32 to vector<128x2048xf32>
    %select_n3A_739 = arith.select %and3A_736, %broadcast_in_dim3A_738, %select_n3A_715 : vector<128x2048xi1>, vector<128x2048xf32>
    %reduce_min3A_740 = arith.constant dense<0x7F800000> : vector<128xf32>
    %reduce_min3A_741 = vector.multi_reduction <minimumf>, %select_n3A_739, %reduce_min3A_740 [1] : vector<128x2048xf32> to vector<128xf32>
    %broadcast_in_dim3A_742 = vector.shape_cast %reduce_min3A_741 : vector<128xf32> to vector<128x1xf32>
    %eq3A_743 = vector.broadcast %broadcast_in_dim3A_742 : vector<128x1xf32> to vector<128x2048xf32>
    %eq3A_744 = arith.cmpf oeq, %select_n3A_739, %eq3A_743 : vector<128x2048xf32>
    %jit3A_745 = arith.constant 2048 : i32
    %broadcast_in_dim3A_746 = vector.broadcast %jit3A_745 : i32 to vector<128x2048xi32>
    %select_n3A_747 = arith.select %eq3A_744, %iota3A, %broadcast_in_dim3A_746 : vector<128x2048xi1>, vector<128x2048xi32>
    %reduce_min3A_748 = arith.constant dense<2147483647> : vector<128xi32>
    %reduce_min3A_749 = vector.multi_reduction <minsi>, %select_n3A_747, %reduce_min3A_748 [1] : vector<128x2048xi32> to vector<128xi32>
    %broadcast_in_dim3A_750 = vector.shape_cast %reduce_min3A_749 : vector<128xi32> to vector<128x1xi32>
    %squeeze3A_751 = vector.shape_cast %broadcast_in_dim3A_750 : vector<128x1xi32> to vector<128xi32>
    %swap3A_752 = arith.constant 0 : index
    %swap3A_753 = arith.constant 0 : index
    %swap3A_754 = arith.constant 31 : index
    %swap3A_755 = vector.load %arg3[%swap3A_752, %swap3A_753, %swap3A_754] : memref<1x128x32xi32, #tpu.memory_space<vmem>>, vector<1x128x1xi32>
    %swap3A_756 = vector.shape_cast %swap3A_755 : vector<1x128x1xi32> to vector<128xi32>
    %swap3A_757 = vector.shape_cast %squeeze3A_751 : vector<128xi32> to vector<1x128x1xi32>
    tpu.vector_store %arg3[%swap3A_752, %swap3A_753, %swap3A_754], %swap3A_757 {strides = array<i32>} : memref<1x128x32xi32, #tpu.memory_space<vmem>>, vector<1x128x1xi32>,
    return
  }
  func.func @transform_0(%arg0: i32, %arg1: i32) -> (i32, i32, i32) {
    %c0_i32 = arith.constant 0 : i32
    %c0_i32_0 = arith.constant 0 : i32
    return %arg0, %arg1, %c0_i32 : i32, i32, i32
  }
  func.func @transform_1(%arg0: i32, %arg1: i32) -> (i32, i32, i32) {
    %c0_i32 = arith.constant 0 : i32
    %c0_i32_0 = arith.constant 0 : i32
    return %arg0, %arg1, %c0_i32 : i32, i32, i32
  }
}

module attributes {stable_mosaic.version = 14 : i64} {
  func.func @_proj_body(%arg0: i32, %arg1: i32, %arg2: memref<1x512x64xf32, #tpu.memory_space<vmem>>, %arg3: memref<4x64x128xf32, #tpu.memory_space<vmem>>, %arg4: memref<4x128xf32, #tpu.memory_space<vmem>>, %arg5: memref<4x128x1xf32, #tpu.memory_space<vmem>>, %arg6: memref<4x1xf32, #tpu.memory_space<vmem>>, %arg7: memref<4x64x128xf32, #tpu.memory_space<vmem>>, %arg8: memref<4x128xf32, #tpu.memory_space<vmem>>, %arg9: memref<1x4x512x128xf32, #tpu.memory_space<vmem>>, %arg10: memref<1x512x4xf32, #tpu.memory_space<vmem>>) attributes {dimension_semantics = [#tpu.dimension_semantics<arbitrary>, #tpu.dimension_semantics<arbitrary>], iteration_bounds = array<i64: 2, 4>, scalar_prefetch = 0 : i64, scratch_operands = 0 : i64, tpu.core_type = #tpu.core_type<tc>, window_params = [{transform_indices = @transform_0, window_bounds = array<i64: 1, 512, 64>}, {pipeline_mode = #tpu.pipeline_mode<synchronous>, transform_indices = @transform_1, window_bounds = array<i64: 4, 64, 128>}, {pipeline_mode = #tpu.pipeline_mode<synchronous>, transform_indices = @transform_2, window_bounds = array<i64: 4, 128>}, {pipeline_mode = #tpu.pipeline_mode<synchronous>, transform_indices = @transform_3, window_bounds = array<i64: 4, 128, 1>}, {pipeline_mode = #tpu.pipeline_mode<synchronous>, transform_indices = @transform_4, window_bounds = array<i64: 4, 1>}, {pipeline_mode = #tpu.pipeline_mode<synchronous>, transform_indices = @transform_5, window_bounds = array<i64: 4, 64, 128>}, {pipeline_mode = #tpu.pipeline_mode<synchronous>, transform_indices = @transform_6, window_bounds = array<i64: 4, 128>}, {transform_indices = @transform_7, window_bounds = array<i64: 1, 4, 512, 128>}, {transform_indices = @transform_8, window_bounds = array<i64: 1, 512, 4>}]} {
    %get3A = arith.constant 0 : index
    %get3A_0 = arith.constant 0 : index
    %get3A_1 = arith.constant 0 : index
    %get3A_2 = vector.load %arg2[%get3A, %get3A_0, %get3A_1] : memref<1x512x64xf32, #tpu.memory_space<vmem>>, vector<1x512x64xf32>
    %get3A_3 = vector.shape_cast %get3A_2 : vector<1x512x64xf32> to vector<512x64xf32>
    %get3A_4 = arith.constant 0 : index
    %get3A_5 = arith.constant 0 : index
    %get3A_6 = arith.constant 0 : index
    %get3A_7 = vector.load %arg7[%get3A_4, %get3A_5, %get3A_6] : memref<4x64x128xf32, #tpu.memory_space<vmem>>, vector<1x64x128xf32>
    %get3A_8 = vector.shape_cast %get3A_7 : vector<1x64x128xf32> to vector<64x128xf32>
    %dot_general3A = arith.constant dense<0.000000e+00> : vector<512x128xf32>
    %dot_general3A_9 = tpu.matmul %get3A_3, %get3A_8, %dot_general3A {dimension_numbers = #tpu.dot_dimension_numbers<[1], [0], [0], [1], [0, 0, 1, 1], [], []>, transpose_lhs_hint = false} : vector<512x64xf32>, vector<64x128xf32>, vector<512x128xf32> -> vector<512x128xf32>
    %get3A_10 = arith.constant 0 : index
    %get3A_11 = arith.constant 0 : index
    %get3A_12 = vector.load %arg8[%get3A_10, %get3A_11] : memref<4x128xf32, #tpu.memory_space<vmem>>, vector<1x128xf32>
    %get3A_13 = vector.shape_cast %get3A_12 : vector<1x128xf32> to vector<128xf32>
    %broadcast_in_dim3A = vector.shape_cast %get3A_13 : vector<128xf32> to vector<1x128xf32>
    %add3A = vector.broadcast %broadcast_in_dim3A : vector<1x128xf32> to vector<512x128xf32>
    %add3A_14 = arith.addf %dot_general3A_9, %add3A : vector<512x128xf32>
    %max3A = arith.constant 0.000000e+00 : f32
    %max3A_15 = vector.broadcast %max3A : f32 to vector<512x128xf32>
    %max3A_16 = arith.maximumf %add3A_14, %max3A_15 : vector<512x128xf32>
    %swap3A = arith.constant 0 : index
    %swap3A_17 = arith.constant 0 : index
    %swap3A_18 = arith.constant 0 : index
    %swap3A_19 = arith.constant 0 : index
    %swap3A_20 = vector.load %arg9[%swap3A, %swap3A_17, %swap3A_18, %swap3A_19] : memref<1x4x512x128xf32, #tpu.memory_space<vmem>>, vector<1x1x512x128xf32>
    %swap3A_21 = vector.shape_cast %swap3A_20 : vector<1x1x512x128xf32> to vector<512x128xf32>
    %swap3A_22 = vector.shape_cast %max3A_16 : vector<512x128xf32> to vector<1x1x512x128xf32>
    tpu.vector_store %arg9[%swap3A, %swap3A_17, %swap3A_18, %swap3A_19], %swap3A_22 {strides = array<i32>} : memref<1x4x512x128xf32, #tpu.memory_space<vmem>>, vector<1x1x512x128xf32>,
    %get3A_23 = arith.constant 0 : index
    %get3A_24 = arith.constant 0 : index
    %get3A_25 = arith.constant 0 : index
    %get3A_26 = vector.load %arg3[%get3A_23, %get3A_24, %get3A_25] : memref<4x64x128xf32, #tpu.memory_space<vmem>>, vector<1x64x128xf32>
    %get3A_27 = vector.shape_cast %get3A_26 : vector<1x64x128xf32> to vector<64x128xf32>
    %dot_general3A_28 = arith.constant dense<0.000000e+00> : vector<512x128xf32>
    %dot_general3A_29 = tpu.matmul %get3A_3, %get3A_27, %dot_general3A_28 {dimension_numbers = #tpu.dot_dimension_numbers<[1], [0], [0], [1], [0, 0, 1, 1], [], []>, transpose_lhs_hint = false} : vector<512x64xf32>, vector<64x128xf32>, vector<512x128xf32> -> vector<512x128xf32>
    %get3A_30 = arith.constant 0 : index
    %get3A_31 = arith.constant 0 : index
    %get3A_32 = vector.load %arg4[%get3A_30, %get3A_31] : memref<4x128xf32, #tpu.memory_space<vmem>>, vector<1x128xf32>
    %get3A_33 = vector.shape_cast %get3A_32 : vector<1x128xf32> to vector<128xf32>
    %broadcast_in_dim3A_34 = vector.shape_cast %get3A_33 : vector<128xf32> to vector<1x128xf32>
    %add3A_35 = vector.broadcast %broadcast_in_dim3A_34 : vector<1x128xf32> to vector<512x128xf32>
    %add3A_36 = arith.addf %dot_general3A_29, %add3A_35 : vector<512x128xf32>
    %max3A_37 = arith.constant 0.000000e+00 : f32
    %max3A_38 = vector.broadcast %max3A_37 : f32 to vector<512x128xf32>
    %max3A_39 = arith.maximumf %add3A_36, %max3A_38 : vector<512x128xf32>
    %get3A_40 = arith.constant 0 : index
    %get3A_41 = arith.constant 0 : index
    %get3A_42 = arith.constant 0 : index
    %get3A_43 = vector.load %arg5[%get3A_40, %get3A_41, %get3A_42] : memref<4x128x1xf32, #tpu.memory_space<vmem>>, vector<1x128x1xf32>
    %get3A_44 = vector.shape_cast %get3A_43 : vector<1x128x1xf32> to vector<128x1xf32>
    %dot_general3A_45 = arith.constant dense<0.000000e+00> : vector<512x1xf32>
    %dot_general3A_46 = tpu.matmul %max3A_39, %get3A_44, %dot_general3A_45 {dimension_numbers = #tpu.dot_dimension_numbers<[1], [0], [0], [1], [0, 0, 1, 1], [], []>, transpose_lhs_hint = false} : vector<512x128xf32>, vector<128x1xf32>, vector<512x1xf32> -> vector<512x1xf32>
    %get3A_47 = arith.constant 0 : index
    %get3A_48 = arith.constant 0 : index
    %get3A_49 = vector.load %arg6[%get3A_47, %get3A_48] : memref<4x1xf32, #tpu.memory_space<vmem>>, vector<1x1xf32>
    %get3A_50 = vector.shape_cast %get3A_49 : vector<1x1xf32> to vector<1xf32>
    %broadcast_in_dim3A_51 = vector.shape_cast %get3A_50 : vector<1xf32> to vector<1x1xf32>
    %add3A_52 = vector.broadcast %broadcast_in_dim3A_51 : vector<1x1xf32> to vector<512x1xf32>
    %add3A_53 = arith.addf %dot_general3A_46, %add3A_52 : vector<512x1xf32>
    %max3A_54 = arith.constant 0.000000e+00 : f32
    %max3A_55 = vector.broadcast %max3A_54 : f32 to vector<512x1xf32>
    %max3A_56 = arith.maximumf %add3A_53, %max3A_55 : vector<512x1xf32>
    %squeeze3A = vector.shape_cast %max3A_56 : vector<512x1xf32> to vector<512xf32>
    %swap3A_57 = arith.constant 0 : index
    %swap3A_58 = arith.constant 0 : index
    %swap3A_59 = arith.constant 0 : index
    %swap3A_60 = vector.load %arg10[%swap3A_57, %swap3A_58, %swap3A_59] : memref<1x512x4xf32, #tpu.memory_space<vmem>>, vector<1x512x1xf32>
    %swap3A_61 = vector.shape_cast %swap3A_60 : vector<1x512x1xf32> to vector<512xf32>
    %swap3A_62 = vector.shape_cast %squeeze3A : vector<512xf32> to vector<1x512x1xf32>
    tpu.vector_store %arg10[%swap3A_57, %swap3A_58, %swap3A_59], %swap3A_62 {strides = array<i32>} : memref<1x512x4xf32, #tpu.memory_space<vmem>>, vector<1x512x1xf32>,
    %get3A_63 = arith.constant 1 : index
    %get3A_64 = arith.constant 0 : index
    %get3A_65 = arith.constant 0 : index
    %get3A_66 = vector.load %arg7[%get3A_63, %get3A_64, %get3A_65] : memref<4x64x128xf32, #tpu.memory_space<vmem>>, vector<1x64x128xf32>
    %get3A_67 = vector.shape_cast %get3A_66 : vector<1x64x128xf32> to vector<64x128xf32>
    %dot_general3A_68 = arith.constant dense<0.000000e+00> : vector<512x128xf32>
    %dot_general3A_69 = tpu.matmul %get3A_3, %get3A_67, %dot_general3A_68 {dimension_numbers = #tpu.dot_dimension_numbers<[1], [0], [0], [1], [0, 0, 1, 1], [], []>, transpose_lhs_hint = false} : vector<512x64xf32>, vector<64x128xf32>, vector<512x128xf32> -> vector<512x128xf32>
    %get3A_70 = arith.constant 1 : index
    %get3A_71 = arith.constant 0 : index
    %get3A_72 = vector.load %arg8[%get3A_70, %get3A_71] : memref<4x128xf32, #tpu.memory_space<vmem>>, vector<1x128xf32>
    %get3A_73 = vector.shape_cast %get3A_72 : vector<1x128xf32> to vector<128xf32>
    %broadcast_in_dim3A_74 = vector.shape_cast %get3A_73 : vector<128xf32> to vector<1x128xf32>
    %add3A_75 = vector.broadcast %broadcast_in_dim3A_74 : vector<1x128xf32> to vector<512x128xf32>
    %add3A_76 = arith.addf %dot_general3A_69, %add3A_75 : vector<512x128xf32>
    %max3A_77 = arith.constant 0.000000e+00 : f32
    %max3A_78 = vector.broadcast %max3A_77 : f32 to vector<512x128xf32>
    %max3A_79 = arith.maximumf %add3A_76, %max3A_78 : vector<512x128xf32>
    %swap3A_80 = arith.constant 0 : index
    %swap3A_81 = arith.constant 1 : index
    %swap3A_82 = arith.constant 0 : index
    %swap3A_83 = arith.constant 0 : index
    %swap3A_84 = vector.load %arg9[%swap3A_80, %swap3A_81, %swap3A_82, %swap3A_83] : memref<1x4x512x128xf32, #tpu.memory_space<vmem>>, vector<1x1x512x128xf32>
    %swap3A_85 = vector.shape_cast %swap3A_84 : vector<1x1x512x128xf32> to vector<512x128xf32>
    %swap3A_86 = vector.shape_cast %max3A_79 : vector<512x128xf32> to vector<1x1x512x128xf32>
    tpu.vector_store %arg9[%swap3A_80, %swap3A_81, %swap3A_82, %swap3A_83], %swap3A_86 {strides = array<i32>} : memref<1x4x512x128xf32, #tpu.memory_space<vmem>>, vector<1x1x512x128xf32>,
    %get3A_87 = arith.constant 1 : index
    %get3A_88 = arith.constant 0 : index
    %get3A_89 = arith.constant 0 : index
    %get3A_90 = vector.load %arg3[%get3A_87, %get3A_88, %get3A_89] : memref<4x64x128xf32, #tpu.memory_space<vmem>>, vector<1x64x128xf32>
    %get3A_91 = vector.shape_cast %get3A_90 : vector<1x64x128xf32> to vector<64x128xf32>
    %dot_general3A_92 = arith.constant dense<0.000000e+00> : vector<512x128xf32>
    %dot_general3A_93 = tpu.matmul %get3A_3, %get3A_91, %dot_general3A_92 {dimension_numbers = #tpu.dot_dimension_numbers<[1], [0], [0], [1], [0, 0, 1, 1], [], []>, transpose_lhs_hint = false} : vector<512x64xf32>, vector<64x128xf32>, vector<512x128xf32> -> vector<512x128xf32>
    %get3A_94 = arith.constant 1 : index
    %get3A_95 = arith.constant 0 : index
    %get3A_96 = vector.load %arg4[%get3A_94, %get3A_95] : memref<4x128xf32, #tpu.memory_space<vmem>>, vector<1x128xf32>
    %get3A_97 = vector.shape_cast %get3A_96 : vector<1x128xf32> to vector<128xf32>
    %broadcast_in_dim3A_98 = vector.shape_cast %get3A_97 : vector<128xf32> to vector<1x128xf32>
    %add3A_99 = vector.broadcast %broadcast_in_dim3A_98 : vector<1x128xf32> to vector<512x128xf32>
    %add3A_100 = arith.addf %dot_general3A_93, %add3A_99 : vector<512x128xf32>
    %max3A_101 = arith.constant 0.000000e+00 : f32
    %max3A_102 = vector.broadcast %max3A_101 : f32 to vector<512x128xf32>
    %max3A_103 = arith.maximumf %add3A_100, %max3A_102 : vector<512x128xf32>
    %get3A_104 = arith.constant 1 : index
    %get3A_105 = arith.constant 0 : index
    %get3A_106 = arith.constant 0 : index
    %get3A_107 = vector.load %arg5[%get3A_104, %get3A_105, %get3A_106] : memref<4x128x1xf32, #tpu.memory_space<vmem>>, vector<1x128x1xf32>
    %get3A_108 = vector.shape_cast %get3A_107 : vector<1x128x1xf32> to vector<128x1xf32>
    %dot_general3A_109 = arith.constant dense<0.000000e+00> : vector<512x1xf32>
    %dot_general3A_110 = tpu.matmul %max3A_103, %get3A_108, %dot_general3A_109 {dimension_numbers = #tpu.dot_dimension_numbers<[1], [0], [0], [1], [0, 0, 1, 1], [], []>, transpose_lhs_hint = false} : vector<512x128xf32>, vector<128x1xf32>, vector<512x1xf32> -> vector<512x1xf32>
    %get3A_111 = arith.constant 1 : index
    %get3A_112 = arith.constant 0 : index
    %get3A_113 = vector.load %arg6[%get3A_111, %get3A_112] : memref<4x1xf32, #tpu.memory_space<vmem>>, vector<1x1xf32>
    %get3A_114 = vector.shape_cast %get3A_113 : vector<1x1xf32> to vector<1xf32>
    %broadcast_in_dim3A_115 = vector.shape_cast %get3A_114 : vector<1xf32> to vector<1x1xf32>
    %add3A_116 = vector.broadcast %broadcast_in_dim3A_115 : vector<1x1xf32> to vector<512x1xf32>
    %add3A_117 = arith.addf %dot_general3A_110, %add3A_116 : vector<512x1xf32>
    %max3A_118 = arith.constant 0.000000e+00 : f32
    %max3A_119 = vector.broadcast %max3A_118 : f32 to vector<512x1xf32>
    %max3A_120 = arith.maximumf %add3A_117, %max3A_119 : vector<512x1xf32>
    %squeeze3A_121 = vector.shape_cast %max3A_120 : vector<512x1xf32> to vector<512xf32>
    %swap3A_122 = arith.constant 0 : index
    %swap3A_123 = arith.constant 0 : index
    %swap3A_124 = arith.constant 1 : index
    %swap3A_125 = vector.load %arg10[%swap3A_122, %swap3A_123, %swap3A_124] : memref<1x512x4xf32, #tpu.memory_space<vmem>>, vector<1x512x1xf32>
    %swap3A_126 = vector.shape_cast %swap3A_125 : vector<1x512x1xf32> to vector<512xf32>
    %swap3A_127 = vector.shape_cast %squeeze3A_121 : vector<512xf32> to vector<1x512x1xf32>
    tpu.vector_store %arg10[%swap3A_122, %swap3A_123, %swap3A_124], %swap3A_127 {strides = array<i32>} : memref<1x512x4xf32, #tpu.memory_space<vmem>>, vector<1x512x1xf32>,
    %get3A_128 = arith.constant 2 : index
    %get3A_129 = arith.constant 0 : index
    %get3A_130 = arith.constant 0 : index
    %get3A_131 = vector.load %arg7[%get3A_128, %get3A_129, %get3A_130] : memref<4x64x128xf32, #tpu.memory_space<vmem>>, vector<1x64x128xf32>
    %get3A_132 = vector.shape_cast %get3A_131 : vector<1x64x128xf32> to vector<64x128xf32>
    %dot_general3A_133 = arith.constant dense<0.000000e+00> : vector<512x128xf32>
    %dot_general3A_134 = tpu.matmul %get3A_3, %get3A_132, %dot_general3A_133 {dimension_numbers = #tpu.dot_dimension_numbers<[1], [0], [0], [1], [0, 0, 1, 1], [], []>, transpose_lhs_hint = false} : vector<512x64xf32>, vector<64x128xf32>, vector<512x128xf32> -> vector<512x128xf32>
    %get3A_135 = arith.constant 2 : index
    %get3A_136 = arith.constant 0 : index
    %get3A_137 = vector.load %arg8[%get3A_135, %get3A_136] : memref<4x128xf32, #tpu.memory_space<vmem>>, vector<1x128xf32>
    %get3A_138 = vector.shape_cast %get3A_137 : vector<1x128xf32> to vector<128xf32>
    %broadcast_in_dim3A_139 = vector.shape_cast %get3A_138 : vector<128xf32> to vector<1x128xf32>
    %add3A_140 = vector.broadcast %broadcast_in_dim3A_139 : vector<1x128xf32> to vector<512x128xf32>
    %add3A_141 = arith.addf %dot_general3A_134, %add3A_140 : vector<512x128xf32>
    %max3A_142 = arith.constant 0.000000e+00 : f32
    %max3A_143 = vector.broadcast %max3A_142 : f32 to vector<512x128xf32>
    %max3A_144 = arith.maximumf %add3A_141, %max3A_143 : vector<512x128xf32>
    %swap3A_145 = arith.constant 0 : index
    %swap3A_146 = arith.constant 2 : index
    %swap3A_147 = arith.constant 0 : index
    %swap3A_148 = arith.constant 0 : index
    %swap3A_149 = vector.load %arg9[%swap3A_145, %swap3A_146, %swap3A_147, %swap3A_148] : memref<1x4x512x128xf32, #tpu.memory_space<vmem>>, vector<1x1x512x128xf32>
    %swap3A_150 = vector.shape_cast %swap3A_149 : vector<1x1x512x128xf32> to vector<512x128xf32>
    %swap3A_151 = vector.shape_cast %max3A_144 : vector<512x128xf32> to vector<1x1x512x128xf32>
    tpu.vector_store %arg9[%swap3A_145, %swap3A_146, %swap3A_147, %swap3A_148], %swap3A_151 {strides = array<i32>} : memref<1x4x512x128xf32, #tpu.memory_space<vmem>>, vector<1x1x512x128xf32>,
    %get3A_152 = arith.constant 2 : index
    %get3A_153 = arith.constant 0 : index
    %get3A_154 = arith.constant 0 : index
    %get3A_155 = vector.load %arg3[%get3A_152, %get3A_153, %get3A_154] : memref<4x64x128xf32, #tpu.memory_space<vmem>>, vector<1x64x128xf32>
    %get3A_156 = vector.shape_cast %get3A_155 : vector<1x64x128xf32> to vector<64x128xf32>
    %dot_general3A_157 = arith.constant dense<0.000000e+00> : vector<512x128xf32>
    %dot_general3A_158 = tpu.matmul %get3A_3, %get3A_156, %dot_general3A_157 {dimension_numbers = #tpu.dot_dimension_numbers<[1], [0], [0], [1], [0, 0, 1, 1], [], []>, transpose_lhs_hint = false} : vector<512x64xf32>, vector<64x128xf32>, vector<512x128xf32> -> vector<512x128xf32>
    %get3A_159 = arith.constant 2 : index
    %get3A_160 = arith.constant 0 : index
    %get3A_161 = vector.load %arg4[%get3A_159, %get3A_160] : memref<4x128xf32, #tpu.memory_space<vmem>>, vector<1x128xf32>
    %get3A_162 = vector.shape_cast %get3A_161 : vector<1x128xf32> to vector<128xf32>
    %broadcast_in_dim3A_163 = vector.shape_cast %get3A_162 : vector<128xf32> to vector<1x128xf32>
    %add3A_164 = vector.broadcast %broadcast_in_dim3A_163 : vector<1x128xf32> to vector<512x128xf32>
    %add3A_165 = arith.addf %dot_general3A_158, %add3A_164 : vector<512x128xf32>
    %max3A_166 = arith.constant 0.000000e+00 : f32
    %max3A_167 = vector.broadcast %max3A_166 : f32 to vector<512x128xf32>
    %max3A_168 = arith.maximumf %add3A_165, %max3A_167 : vector<512x128xf32>
    %get3A_169 = arith.constant 2 : index
    %get3A_170 = arith.constant 0 : index
    %get3A_171 = arith.constant 0 : index
    %get3A_172 = vector.load %arg5[%get3A_169, %get3A_170, %get3A_171] : memref<4x128x1xf32, #tpu.memory_space<vmem>>, vector<1x128x1xf32>
    %get3A_173 = vector.shape_cast %get3A_172 : vector<1x128x1xf32> to vector<128x1xf32>
    %dot_general3A_174 = arith.constant dense<0.000000e+00> : vector<512x1xf32>
    %dot_general3A_175 = tpu.matmul %max3A_168, %get3A_173, %dot_general3A_174 {dimension_numbers = #tpu.dot_dimension_numbers<[1], [0], [0], [1], [0, 0, 1, 1], [], []>, transpose_lhs_hint = false} : vector<512x128xf32>, vector<128x1xf32>, vector<512x1xf32> -> vector<512x1xf32>
    %get3A_176 = arith.constant 2 : index
    %get3A_177 = arith.constant 0 : index
    %get3A_178 = vector.load %arg6[%get3A_176, %get3A_177] : memref<4x1xf32, #tpu.memory_space<vmem>>, vector<1x1xf32>
    %get3A_179 = vector.shape_cast %get3A_178 : vector<1x1xf32> to vector<1xf32>
    %broadcast_in_dim3A_180 = vector.shape_cast %get3A_179 : vector<1xf32> to vector<1x1xf32>
    %add3A_181 = vector.broadcast %broadcast_in_dim3A_180 : vector<1x1xf32> to vector<512x1xf32>
    %add3A_182 = arith.addf %dot_general3A_175, %add3A_181 : vector<512x1xf32>
    %max3A_183 = arith.constant 0.000000e+00 : f32
    %max3A_184 = vector.broadcast %max3A_183 : f32 to vector<512x1xf32>
    %max3A_185 = arith.maximumf %add3A_182, %max3A_184 : vector<512x1xf32>
    %squeeze3A_186 = vector.shape_cast %max3A_185 : vector<512x1xf32> to vector<512xf32>
    %swap3A_187 = arith.constant 0 : index
    %swap3A_188 = arith.constant 0 : index
    %swap3A_189 = arith.constant 2 : index
    %swap3A_190 = vector.load %arg10[%swap3A_187, %swap3A_188, %swap3A_189] : memref<1x512x4xf32, #tpu.memory_space<vmem>>, vector<1x512x1xf32>
    %swap3A_191 = vector.shape_cast %swap3A_190 : vector<1x512x1xf32> to vector<512xf32>
    %swap3A_192 = vector.shape_cast %squeeze3A_186 : vector<512xf32> to vector<1x512x1xf32>
    tpu.vector_store %arg10[%swap3A_187, %swap3A_188, %swap3A_189], %swap3A_192 {strides = array<i32>} : memref<1x512x4xf32, #tpu.memory_space<vmem>>, vector<1x512x1xf32>,
    %get3A_193 = arith.constant 3 : index
    %get3A_194 = arith.constant 0 : index
    %get3A_195 = arith.constant 0 : index
    %get3A_196 = vector.load %arg7[%get3A_193, %get3A_194, %get3A_195] : memref<4x64x128xf32, #tpu.memory_space<vmem>>, vector<1x64x128xf32>
    %get3A_197 = vector.shape_cast %get3A_196 : vector<1x64x128xf32> to vector<64x128xf32>
    %dot_general3A_198 = arith.constant dense<0.000000e+00> : vector<512x128xf32>
    %dot_general3A_199 = tpu.matmul %get3A_3, %get3A_197, %dot_general3A_198 {dimension_numbers = #tpu.dot_dimension_numbers<[1], [0], [0], [1], [0, 0, 1, 1], [], []>, transpose_lhs_hint = false} : vector<512x64xf32>, vector<64x128xf32>, vector<512x128xf32> -> vector<512x128xf32>
    %get3A_200 = arith.constant 3 : index
    %get3A_201 = arith.constant 0 : index
    %get3A_202 = vector.load %arg8[%get3A_200, %get3A_201] : memref<4x128xf32, #tpu.memory_space<vmem>>, vector<1x128xf32>
    %get3A_203 = vector.shape_cast %get3A_202 : vector<1x128xf32> to vector<128xf32>
    %broadcast_in_dim3A_204 = vector.shape_cast %get3A_203 : vector<128xf32> to vector<1x128xf32>
    %add3A_205 = vector.broadcast %broadcast_in_dim3A_204 : vector<1x128xf32> to vector<512x128xf32>
    %add3A_206 = arith.addf %dot_general3A_199, %add3A_205 : vector<512x128xf32>
    %max3A_207 = arith.constant 0.000000e+00 : f32
    %max3A_208 = vector.broadcast %max3A_207 : f32 to vector<512x128xf32>
    %max3A_209 = arith.maximumf %add3A_206, %max3A_208 : vector<512x128xf32>
    %swap3A_210 = arith.constant 0 : index
    %swap3A_211 = arith.constant 3 : index
    %swap3A_212 = arith.constant 0 : index
    %swap3A_213 = arith.constant 0 : index
    %swap3A_214 = vector.load %arg9[%swap3A_210, %swap3A_211, %swap3A_212, %swap3A_213] : memref<1x4x512x128xf32, #tpu.memory_space<vmem>>, vector<1x1x512x128xf32>
    %swap3A_215 = vector.shape_cast %swap3A_214 : vector<1x1x512x128xf32> to vector<512x128xf32>
    %swap3A_216 = vector.shape_cast %max3A_209 : vector<512x128xf32> to vector<1x1x512x128xf32>
    tpu.vector_store %arg9[%swap3A_210, %swap3A_211, %swap3A_212, %swap3A_213], %swap3A_216 {strides = array<i32>} : memref<1x4x512x128xf32, #tpu.memory_space<vmem>>, vector<1x1x512x128xf32>,
    %get3A_217 = arith.constant 3 : index
    %get3A_218 = arith.constant 0 : index
    %get3A_219 = arith.constant 0 : index
    %get3A_220 = vector.load %arg3[%get3A_217, %get3A_218, %get3A_219] : memref<4x64x128xf32, #tpu.memory_space<vmem>>, vector<1x64x128xf32>
    %get3A_221 = vector.shape_cast %get3A_220 : vector<1x64x128xf32> to vector<64x128xf32>
    %dot_general3A_222 = arith.constant dense<0.000000e+00> : vector<512x128xf32>
    %dot_general3A_223 = tpu.matmul %get3A_3, %get3A_221, %dot_general3A_222 {dimension_numbers = #tpu.dot_dimension_numbers<[1], [0], [0], [1], [0, 0, 1, 1], [], []>, transpose_lhs_hint = false} : vector<512x64xf32>, vector<64x128xf32>, vector<512x128xf32> -> vector<512x128xf32>
    %get3A_224 = arith.constant 3 : index
    %get3A_225 = arith.constant 0 : index
    %get3A_226 = vector.load %arg4[%get3A_224, %get3A_225] : memref<4x128xf32, #tpu.memory_space<vmem>>, vector<1x128xf32>
    %get3A_227 = vector.shape_cast %get3A_226 : vector<1x128xf32> to vector<128xf32>
    %broadcast_in_dim3A_228 = vector.shape_cast %get3A_227 : vector<128xf32> to vector<1x128xf32>
    %add3A_229 = vector.broadcast %broadcast_in_dim3A_228 : vector<1x128xf32> to vector<512x128xf32>
    %add3A_230 = arith.addf %dot_general3A_223, %add3A_229 : vector<512x128xf32>
    %max3A_231 = arith.constant 0.000000e+00 : f32
    %max3A_232 = vector.broadcast %max3A_231 : f32 to vector<512x128xf32>
    %max3A_233 = arith.maximumf %add3A_230, %max3A_232 : vector<512x128xf32>
    %get3A_234 = arith.constant 3 : index
    %get3A_235 = arith.constant 0 : index
    %get3A_236 = arith.constant 0 : index
    %get3A_237 = vector.load %arg5[%get3A_234, %get3A_235, %get3A_236] : memref<4x128x1xf32, #tpu.memory_space<vmem>>, vector<1x128x1xf32>
    %get3A_238 = vector.shape_cast %get3A_237 : vector<1x128x1xf32> to vector<128x1xf32>
    %dot_general3A_239 = arith.constant dense<0.000000e+00> : vector<512x1xf32>
    %dot_general3A_240 = tpu.matmul %max3A_233, %get3A_238, %dot_general3A_239 {dimension_numbers = #tpu.dot_dimension_numbers<[1], [0], [0], [1], [0, 0, 1, 1], [], []>, transpose_lhs_hint = false} : vector<512x128xf32>, vector<128x1xf32>, vector<512x1xf32> -> vector<512x1xf32>
    %get3A_241 = arith.constant 3 : index
    %get3A_242 = arith.constant 0 : index
    %get3A_243 = vector.load %arg6[%get3A_241, %get3A_242] : memref<4x1xf32, #tpu.memory_space<vmem>>, vector<1x1xf32>
    %get3A_244 = vector.shape_cast %get3A_243 : vector<1x1xf32> to vector<1xf32>
    %broadcast_in_dim3A_245 = vector.shape_cast %get3A_244 : vector<1xf32> to vector<1x1xf32>
    %add3A_246 = vector.broadcast %broadcast_in_dim3A_245 : vector<1x1xf32> to vector<512x1xf32>
    %add3A_247 = arith.addf %dot_general3A_240, %add3A_246 : vector<512x1xf32>
    %max3A_248 = arith.constant 0.000000e+00 : f32
    %max3A_249 = vector.broadcast %max3A_248 : f32 to vector<512x1xf32>
    %max3A_250 = arith.maximumf %add3A_247, %max3A_249 : vector<512x1xf32>
    %squeeze3A_251 = vector.shape_cast %max3A_250 : vector<512x1xf32> to vector<512xf32>
    %swap3A_252 = arith.constant 0 : index
    %swap3A_253 = arith.constant 0 : index
    %swap3A_254 = arith.constant 3 : index
    %swap3A_255 = vector.load %arg10[%swap3A_252, %swap3A_253, %swap3A_254] : memref<1x512x4xf32, #tpu.memory_space<vmem>>, vector<1x512x1xf32>
    %swap3A_256 = vector.shape_cast %swap3A_255 : vector<1x512x1xf32> to vector<512xf32>
    %swap3A_257 = vector.shape_cast %squeeze3A_251 : vector<512xf32> to vector<1x512x1xf32>
    tpu.vector_store %arg10[%swap3A_252, %swap3A_253, %swap3A_254], %swap3A_257 {strides = array<i32>} : memref<1x512x4xf32, #tpu.memory_space<vmem>>, vector<1x512x1xf32>,
    return
  }
  func.func @transform_0(%arg0: i32, %arg1: i32) -> (i32, i32, i32) {
    %c0_i32 = arith.constant 0 : i32
    %c0_i32_0 = arith.constant 0 : i32
    return %arg0, %arg1, %c0_i32 : i32, i32, i32
  }
  func.func @transform_1(%arg0: i32, %arg1: i32) -> (i32, i32, i32) {
    %c0_i32 = arith.constant 0 : i32
    %c0_i32_0 = arith.constant 0 : i32
    %c0_i32_1 = arith.constant 0 : i32
    %c0_i32_2 = arith.constant 0 : i32
    return %c0_i32, %c0_i32_0, %c0_i32_1 : i32, i32, i32
  }
  func.func @transform_2(%arg0: i32, %arg1: i32) -> (i32, i32) {
    %c0_i32 = arith.constant 0 : i32
    %c0_i32_0 = arith.constant 0 : i32
    %c0_i32_1 = arith.constant 0 : i32
    return %c0_i32, %c0_i32_0 : i32, i32
  }
  func.func @transform_3(%arg0: i32, %arg1: i32) -> (i32, i32, i32) {
    %c0_i32 = arith.constant 0 : i32
    %c0_i32_0 = arith.constant 0 : i32
    %c0_i32_1 = arith.constant 0 : i32
    %c0_i32_2 = arith.constant 0 : i32
    return %c0_i32, %c0_i32_0, %c0_i32_1 : i32, i32, i32
  }
  func.func @transform_4(%arg0: i32, %arg1: i32) -> (i32, i32) {
    %c0_i32 = arith.constant 0 : i32
    %c0_i32_0 = arith.constant 0 : i32
    %c0_i32_1 = arith.constant 0 : i32
    return %c0_i32, %c0_i32_0 : i32, i32
  }
  func.func @transform_5(%arg0: i32, %arg1: i32) -> (i32, i32, i32) {
    %c0_i32 = arith.constant 0 : i32
    %c0_i32_0 = arith.constant 0 : i32
    %c0_i32_1 = arith.constant 0 : i32
    %c0_i32_2 = arith.constant 0 : i32
    return %c0_i32, %c0_i32_0, %c0_i32_1 : i32, i32, i32
  }
  func.func @transform_6(%arg0: i32, %arg1: i32) -> (i32, i32) {
    %c0_i32 = arith.constant 0 : i32
    %c0_i32_0 = arith.constant 0 : i32
    %c0_i32_1 = arith.constant 0 : i32
    return %c0_i32, %c0_i32_0 : i32, i32
  }
  func.func @transform_7(%arg0: i32, %arg1: i32) -> (i32, i32, i32, i32) {
    %c0_i32 = arith.constant 0 : i32
    %c0_i32_0 = arith.constant 0 : i32
    %c0_i32_1 = arith.constant 0 : i32
    return %arg0, %c0_i32, %arg1, %c0_i32_0 : i32, i32, i32, i32
  }
  func.func @transform_8(%arg0: i32, %arg1: i32) -> (i32, i32, i32) {
    %c0_i32 = arith.constant 0 : i32
    %c0_i32_0 = arith.constant 0 : i32
    return %arg0, %arg1, %c0_i32 : i32, i32, i32
  }
}

module attributes {stable_mosaic.version = 14 : i64} {
  func.func @_att_body(%arg0: i32, %arg1: i32, %arg2: memref<1x64x4x32x128xf32, #tpu.memory_space<vmem>>, %arg3: memref<1x64x4xf32, #tpu.memory_space<vmem>>, %arg4: memref<4x128x1xf32, #tpu.memory_space<vmem>>, %arg5: memref<4x1xf32, #tpu.memory_space<vmem>>, %arg6: memref<1x64x4x128xf32, #tpu.memory_space<vmem>>, %arg7: memref<1x64x4x32xf32, #tpu.memory_space<vmem>>) attributes {dimension_semantics = [#tpu.dimension_semantics<arbitrary>, #tpu.dimension_semantics<arbitrary>], iteration_bounds = array<i64: 2, 32>, scalar_prefetch = 0 : i64, scratch_operands = 0 : i64, tpu.core_type = #tpu.core_type<tc>, window_params = [{transform_indices = @transform_0, window_bounds = array<i64: 1, 64, 4, 32, 128>}, {transform_indices = @transform_1, window_bounds = array<i64: 1, 64, 4>}, {pipeline_mode = #tpu.pipeline_mode<synchronous>, transform_indices = @transform_2, window_bounds = array<i64: 4, 128, 1>}, {pipeline_mode = #tpu.pipeline_mode<synchronous>, transform_indices = @transform_3, window_bounds = array<i64: 4, 1>}, {transform_indices = @transform_4, window_bounds = array<i64: 1, 64, 4, 128>}, {transform_indices = @transform_5, window_bounds = array<i64: 1, 64, 4, 32>}]} {
    %get3A = arith.constant 0 : index
    %get3A_0 = arith.constant 0 : index
    %get3A_1 = arith.constant 0 : index
    %get3A_2 = arith.constant 0 : index
    %get3A_3 = arith.constant 0 : index
    %get3A_4 = vector.load %arg2[%get3A, %get3A_0, %get3A_1, %get3A_2, %get3A_3] : memref<1x64x4x32x128xf32, #tpu.memory_space<vmem>>, vector<1x64x4x32x128xf32>
    %get3A_5 = vector.shape_cast %get3A_4 : vector<1x64x4x32x128xf32> to vector<64x4x32x128xf32>
    %slice3A = vector.extract_strided_slice %get3A_5 {offsets = [0, 0, 0, 0], sizes = [64, 1, 32, 128], strides = [1, 1, 1, 1]} : vector<64x4x32x128xf32> to vector<64x1x32x128xf32>
    %squeeze3A = vector.shape_cast %slice3A : vector<64x1x32x128xf32> to vector<64x32x128xf32>
    %reshape3A = vector.shape_cast %squeeze3A : vector<64x32x128xf32> to vector<2048x128xf32>
    %get3A_6 = arith.constant 0 : index
    %get3A_7 = arith.constant 0 : index
    %get3A_8 = arith.constant 0 : index
    %get3A_9 = vector.load %arg4[%get3A_6, %get3A_7, %get3A_8] : memref<4x128x1xf32, #tpu.memory_space<vmem>>, vector<1x128x1xf32>
    %get3A_10 = vector.shape_cast %get3A_9 : vector<1x128x1xf32> to vector<128x1xf32>
    %dot_general3A = arith.constant dense<0.000000e+00> : vector<2048x1xf32>
    %dot_general3A_11 = tpu.matmul %reshape3A, %get3A_10, %dot_general3A {dimension_numbers = #tpu.dot_dimension_numbers<[1], [0], [0], [1], [0, 0, 1, 1], [], []>, transpose_lhs_hint = false} : vector<2048x128xf32>, vector<128x1xf32>, vector<2048x1xf32> -> vector<2048x1xf32>
    %get3A_12 = arith.constant 0 : index
    %get3A_13 = arith.constant 0 : index
    %get3A_14 = vector.load %arg5[%get3A_12, %get3A_13] : memref<4x1xf32, #tpu.memory_space<vmem>>, vector<1x1xf32>
    %get3A_15 = vector.shape_cast %get3A_14 : vector<1x1xf32> to vector<1xf32>
    %broadcast_in_dim3A = vector.shape_cast %get3A_15 : vector<1xf32> to vector<1x1xf32>
    %add3A = vector.broadcast %broadcast_in_dim3A : vector<1x1xf32> to vector<2048x1xf32>
    %add3A_16 = arith.addf %dot_general3A_11, %add3A : vector<2048x1xf32>
    %max3A = arith.constant 0.000000e+00 : f32
    %max3A_17 = vector.broadcast %max3A : f32 to vector<2048x1xf32>
    %max3A_18 = arith.maximumf %add3A_16, %max3A_17 : vector<2048x1xf32>
    %get3A_19 = arith.constant 0 : index
    %get3A_20 = arith.constant 0 : index
    %get3A_21 = arith.constant 0 : index
    %get3A_22 = vector.load %arg3[%get3A_19, %get3A_20, %get3A_21] : memref<1x64x4xf32, #tpu.memory_space<vmem>>, vector<1x64x1xf32>
    %get3A_23 = vector.shape_cast %get3A_22 : vector<1x64x1xf32> to vector<64xf32>
    %broadcast_in_dim3A_24 = vector.shape_cast %get3A_23 : vector<64xf32> to vector<64x1xf32>
    %reshape3A_25 = vector.shape_cast %max3A_18 : vector<2048x1xf32> to vector<64x32xf32>
    %add3A_26 = vector.broadcast %broadcast_in_dim3A_24 : vector<64x1xf32> to vector<64x32xf32>
    %add3A_27 = arith.addf %add3A_26, %reshape3A_25 : vector<64x32xf32>
    %gt3A = arith.constant 0.000000e+00 : f32
    %gt3A_28 = vector.broadcast %gt3A : f32 to vector<64x32xf32>
    %gt3A_29 = arith.cmpf ogt, %add3A_27, %gt3A_28 : vector<64x32xf32>
    %mul3A = arith.constant 3.000000e-01 : f32
    %mul3A_30 = vector.broadcast %mul3A : f32 to vector<64x32xf32>
    %mul3A_31 = arith.mulf %mul3A_30, %add3A_27 : vector<64x32xf32>
    %select_n3A = arith.select %gt3A_29, %add3A_27, %mul3A_31 : vector<64x32xi1>, vector<64x32xf32>
    %reduce_max3A = arith.constant dense<0xFF800000> : vector<64xf32>
    %reduce_max3A_32 = vector.multi_reduction <maximumf>, %select_n3A, %reduce_max3A [1] : vector<64x32xf32> to vector<64xf32>
    %broadcast_in_dim3A_33 = vector.shape_cast %reduce_max3A_32 : vector<64xf32> to vector<64x1xf32>
    %sub3A = vector.broadcast %broadcast_in_dim3A_33 : vector<64x1xf32> to vector<64x32xf32>
    %sub3A_34 = arith.subf %select_n3A, %sub3A : vector<64x32xf32>
    %exp3A = math.exp %sub3A_34 : vector<64x32xf32>
    %reduce_sum3A = arith.constant dense<0.000000e+00> : vector<64xf32>
    %reduce_sum3A_35 = vector.multi_reduction <add>, %exp3A, %reduce_sum3A [1] : vector<64x32xf32> to vector<64xf32>
    %broadcast_in_dim3A_36 = vector.shape_cast %reduce_sum3A_35 : vector<64xf32> to vector<64x1xf32>
    %div3A = vector.broadcast %broadcast_in_dim3A_36 : vector<64x1xf32> to vector<64x32xf32>
    %div3A_37 = arith.divf %exp3A, %div3A : vector<64x32xf32>
    %broadcast_in_dim3A_38 = vector.shape_cast %div3A_37 : vector<64x32xf32> to vector<64x32x1xf32>
    %slice3A_39 = vector.extract_strided_slice %get3A_5 {offsets = [0, 0, 0, 0], sizes = [64, 1, 32, 128], strides = [1, 1, 1, 1]} : vector<64x4x32x128xf32> to vector<64x1x32x128xf32>
    %squeeze3A_40 = vector.shape_cast %slice3A_39 : vector<64x1x32x128xf32> to vector<64x32x128xf32>
    %mul3A_41 = vector.broadcast %broadcast_in_dim3A_38 : vector<64x32x1xf32> to vector<64x32x128xf32>
    %mul3A_42 = arith.mulf %mul3A_41, %squeeze3A_40 : vector<64x32x128xf32>
    %reduce_sum3A_43 = arith.constant dense<0.000000e+00> : vector<64x128xf32>
    %reduce_sum3A_44 = vector.multi_reduction <add>, %mul3A_42, %reduce_sum3A_43 [1] : vector<64x32x128xf32> to vector<64x128xf32>
    %slice3A_45 = vector.extract_strided_slice %get3A_5 {offsets = [0, 1, 0, 0], sizes = [64, 1, 32, 128], strides = [1, 1, 1, 1]} : vector<64x4x32x128xf32> to vector<64x1x32x128xf32>
    %squeeze3A_46 = vector.shape_cast %slice3A_45 : vector<64x1x32x128xf32> to vector<64x32x128xf32>
    %reshape3A_47 = vector.shape_cast %squeeze3A_46 : vector<64x32x128xf32> to vector<2048x128xf32>
    %get3A_48 = arith.constant 1 : index
    %get3A_49 = arith.constant 0 : index
    %get3A_50 = arith.constant 0 : index
    %get3A_51 = vector.load %arg4[%get3A_48, %get3A_49, %get3A_50] : memref<4x128x1xf32, #tpu.memory_space<vmem>>, vector<1x128x1xf32>
    %get3A_52 = vector.shape_cast %get3A_51 : vector<1x128x1xf32> to vector<128x1xf32>
    %dot_general3A_53 = arith.constant dense<0.000000e+00> : vector<2048x1xf32>
    %dot_general3A_54 = tpu.matmul %reshape3A_47, %get3A_52, %dot_general3A_53 {dimension_numbers = #tpu.dot_dimension_numbers<[1], [0], [0], [1], [0, 0, 1, 1], [], []>, transpose_lhs_hint = false} : vector<2048x128xf32>, vector<128x1xf32>, vector<2048x1xf32> -> vector<2048x1xf32>
    %get3A_55 = arith.constant 1 : index
    %get3A_56 = arith.constant 0 : index
    %get3A_57 = vector.load %arg5[%get3A_55, %get3A_56] : memref<4x1xf32, #tpu.memory_space<vmem>>, vector<1x1xf32>
    %get3A_58 = vector.shape_cast %get3A_57 : vector<1x1xf32> to vector<1xf32>
    %broadcast_in_dim3A_59 = vector.shape_cast %get3A_58 : vector<1xf32> to vector<1x1xf32>
    %add3A_60 = vector.broadcast %broadcast_in_dim3A_59 : vector<1x1xf32> to vector<2048x1xf32>
    %add3A_61 = arith.addf %dot_general3A_54, %add3A_60 : vector<2048x1xf32>
    %max3A_62 = arith.constant 0.000000e+00 : f32
    %max3A_63 = vector.broadcast %max3A_62 : f32 to vector<2048x1xf32>
    %max3A_64 = arith.maximumf %add3A_61, %max3A_63 : vector<2048x1xf32>
    %get3A_65 = arith.constant 0 : index
    %get3A_66 = arith.constant 0 : index
    %get3A_67 = arith.constant 1 : index
    %get3A_68 = vector.load %arg3[%get3A_65, %get3A_66, %get3A_67] : memref<1x64x4xf32, #tpu.memory_space<vmem>>, vector<1x64x1xf32>
    %get3A_69 = vector.shape_cast %get3A_68 : vector<1x64x1xf32> to vector<64xf32>
    %broadcast_in_dim3A_70 = vector.shape_cast %get3A_69 : vector<64xf32> to vector<64x1xf32>
    %reshape3A_71 = vector.shape_cast %max3A_64 : vector<2048x1xf32> to vector<64x32xf32>
    %add3A_72 = vector.broadcast %broadcast_in_dim3A_70 : vector<64x1xf32> to vector<64x32xf32>
    %add3A_73 = arith.addf %add3A_72, %reshape3A_71 : vector<64x32xf32>
    %gt3A_74 = arith.constant 0.000000e+00 : f32
    %gt3A_75 = vector.broadcast %gt3A_74 : f32 to vector<64x32xf32>
    %gt3A_76 = arith.cmpf ogt, %add3A_73, %gt3A_75 : vector<64x32xf32>
    %mul3A_77 = arith.constant 3.000000e-01 : f32
    %mul3A_78 = vector.broadcast %mul3A_77 : f32 to vector<64x32xf32>
    %mul3A_79 = arith.mulf %mul3A_78, %add3A_73 : vector<64x32xf32>
    %select_n3A_80 = arith.select %gt3A_76, %add3A_73, %mul3A_79 : vector<64x32xi1>, vector<64x32xf32>
    %reduce_max3A_81 = arith.constant dense<0xFF800000> : vector<64xf32>
    %reduce_max3A_82 = vector.multi_reduction <maximumf>, %select_n3A_80, %reduce_max3A_81 [1] : vector<64x32xf32> to vector<64xf32>
    %broadcast_in_dim3A_83 = vector.shape_cast %reduce_max3A_82 : vector<64xf32> to vector<64x1xf32>
    %sub3A_84 = vector.broadcast %broadcast_in_dim3A_83 : vector<64x1xf32> to vector<64x32xf32>
    %sub3A_85 = arith.subf %select_n3A_80, %sub3A_84 : vector<64x32xf32>
    %exp3A_86 = math.exp %sub3A_85 : vector<64x32xf32>
    %reduce_sum3A_87 = arith.constant dense<0.000000e+00> : vector<64xf32>
    %reduce_sum3A_88 = vector.multi_reduction <add>, %exp3A_86, %reduce_sum3A_87 [1] : vector<64x32xf32> to vector<64xf32>
    %broadcast_in_dim3A_89 = vector.shape_cast %reduce_sum3A_88 : vector<64xf32> to vector<64x1xf32>
    %div3A_90 = vector.broadcast %broadcast_in_dim3A_89 : vector<64x1xf32> to vector<64x32xf32>
    %div3A_91 = arith.divf %exp3A_86, %div3A_90 : vector<64x32xf32>
    %broadcast_in_dim3A_92 = vector.shape_cast %div3A_91 : vector<64x32xf32> to vector<64x32x1xf32>
    %slice3A_93 = vector.extract_strided_slice %get3A_5 {offsets = [0, 1, 0, 0], sizes = [64, 1, 32, 128], strides = [1, 1, 1, 1]} : vector<64x4x32x128xf32> to vector<64x1x32x128xf32>
    %squeeze3A_94 = vector.shape_cast %slice3A_93 : vector<64x1x32x128xf32> to vector<64x32x128xf32>
    %mul3A_95 = vector.broadcast %broadcast_in_dim3A_92 : vector<64x32x1xf32> to vector<64x32x128xf32>
    %mul3A_96 = arith.mulf %mul3A_95, %squeeze3A_94 : vector<64x32x128xf32>
    %reduce_sum3A_97 = arith.constant dense<0.000000e+00> : vector<64x128xf32>
    %reduce_sum3A_98 = vector.multi_reduction <add>, %mul3A_96, %reduce_sum3A_97 [1] : vector<64x32x128xf32> to vector<64x128xf32>
    %slice3A_99 = vector.extract_strided_slice %get3A_5 {offsets = [0, 2, 0, 0], sizes = [64, 1, 32, 128], strides = [1, 1, 1, 1]} : vector<64x4x32x128xf32> to vector<64x1x32x128xf32>
    %squeeze3A_100 = vector.shape_cast %slice3A_99 : vector<64x1x32x128xf32> to vector<64x32x128xf32>
    %reshape3A_101 = vector.shape_cast %squeeze3A_100 : vector<64x32x128xf32> to vector<2048x128xf32>
    %get3A_102 = arith.constant 2 : index
    %get3A_103 = arith.constant 0 : index
    %get3A_104 = arith.constant 0 : index
    %get3A_105 = vector.load %arg4[%get3A_102, %get3A_103, %get3A_104] : memref<4x128x1xf32, #tpu.memory_space<vmem>>, vector<1x128x1xf32>
    %get3A_106 = vector.shape_cast %get3A_105 : vector<1x128x1xf32> to vector<128x1xf32>
    %dot_general3A_107 = arith.constant dense<0.000000e+00> : vector<2048x1xf32>
    %dot_general3A_108 = tpu.matmul %reshape3A_101, %get3A_106, %dot_general3A_107 {dimension_numbers = #tpu.dot_dimension_numbers<[1], [0], [0], [1], [0, 0, 1, 1], [], []>, transpose_lhs_hint = false} : vector<2048x128xf32>, vector<128x1xf32>, vector<2048x1xf32> -> vector<2048x1xf32>
    %get3A_109 = arith.constant 2 : index
    %get3A_110 = arith.constant 0 : index
    %get3A_111 = vector.load %arg5[%get3A_109, %get3A_110] : memref<4x1xf32, #tpu.memory_space<vmem>>, vector<1x1xf32>
    %get3A_112 = vector.shape_cast %get3A_111 : vector<1x1xf32> to vector<1xf32>
    %broadcast_in_dim3A_113 = vector.shape_cast %get3A_112 : vector<1xf32> to vector<1x1xf32>
    %add3A_114 = vector.broadcast %broadcast_in_dim3A_113 : vector<1x1xf32> to vector<2048x1xf32>
    %add3A_115 = arith.addf %dot_general3A_108, %add3A_114 : vector<2048x1xf32>
    %max3A_116 = arith.constant 0.000000e+00 : f32
    %max3A_117 = vector.broadcast %max3A_116 : f32 to vector<2048x1xf32>
    %max3A_118 = arith.maximumf %add3A_115, %max3A_117 : vector<2048x1xf32>
    %get3A_119 = arith.constant 0 : index
    %get3A_120 = arith.constant 0 : index
    %get3A_121 = arith.constant 2 : index
    %get3A_122 = vector.load %arg3[%get3A_119, %get3A_120, %get3A_121] : memref<1x64x4xf32, #tpu.memory_space<vmem>>, vector<1x64x1xf32>
    %get3A_123 = vector.shape_cast %get3A_122 : vector<1x64x1xf32> to vector<64xf32>
    %broadcast_in_dim3A_124 = vector.shape_cast %get3A_123 : vector<64xf32> to vector<64x1xf32>
    %reshape3A_125 = vector.shape_cast %max3A_118 : vector<2048x1xf32> to vector<64x32xf32>
    %add3A_126 = vector.broadcast %broadcast_in_dim3A_124 : vector<64x1xf32> to vector<64x32xf32>
    %add3A_127 = arith.addf %add3A_126, %reshape3A_125 : vector<64x32xf32>
    %gt3A_128 = arith.constant 0.000000e+00 : f32
    %gt3A_129 = vector.broadcast %gt3A_128 : f32 to vector<64x32xf32>
    %gt3A_130 = arith.cmpf ogt, %add3A_127, %gt3A_129 : vector<64x32xf32>
    %mul3A_131 = arith.constant 3.000000e-01 : f32
    %mul3A_132 = vector.broadcast %mul3A_131 : f32 to vector<64x32xf32>
    %mul3A_133 = arith.mulf %mul3A_132, %add3A_127 : vector<64x32xf32>
    %select_n3A_134 = arith.select %gt3A_130, %add3A_127, %mul3A_133 : vector<64x32xi1>, vector<64x32xf32>
    %reduce_max3A_135 = arith.constant dense<0xFF800000> : vector<64xf32>
    %reduce_max3A_136 = vector.multi_reduction <maximumf>, %select_n3A_134, %reduce_max3A_135 [1] : vector<64x32xf32> to vector<64xf32>
    %broadcast_in_dim3A_137 = vector.shape_cast %reduce_max3A_136 : vector<64xf32> to vector<64x1xf32>
    %sub3A_138 = vector.broadcast %broadcast_in_dim3A_137 : vector<64x1xf32> to vector<64x32xf32>
    %sub3A_139 = arith.subf %select_n3A_134, %sub3A_138 : vector<64x32xf32>
    %exp3A_140 = math.exp %sub3A_139 : vector<64x32xf32>
    %reduce_sum3A_141 = arith.constant dense<0.000000e+00> : vector<64xf32>
    %reduce_sum3A_142 = vector.multi_reduction <add>, %exp3A_140, %reduce_sum3A_141 [1] : vector<64x32xf32> to vector<64xf32>
    %broadcast_in_dim3A_143 = vector.shape_cast %reduce_sum3A_142 : vector<64xf32> to vector<64x1xf32>
    %div3A_144 = vector.broadcast %broadcast_in_dim3A_143 : vector<64x1xf32> to vector<64x32xf32>
    %div3A_145 = arith.divf %exp3A_140, %div3A_144 : vector<64x32xf32>
    %broadcast_in_dim3A_146 = vector.shape_cast %div3A_145 : vector<64x32xf32> to vector<64x32x1xf32>
    %slice3A_147 = vector.extract_strided_slice %get3A_5 {offsets = [0, 2, 0, 0], sizes = [64, 1, 32, 128], strides = [1, 1, 1, 1]} : vector<64x4x32x128xf32> to vector<64x1x32x128xf32>
    %squeeze3A_148 = vector.shape_cast %slice3A_147 : vector<64x1x32x128xf32> to vector<64x32x128xf32>
    %mul3A_149 = vector.broadcast %broadcast_in_dim3A_146 : vector<64x32x1xf32> to vector<64x32x128xf32>
    %mul3A_150 = arith.mulf %mul3A_149, %squeeze3A_148 : vector<64x32x128xf32>
    %reduce_sum3A_151 = arith.constant dense<0.000000e+00> : vector<64x128xf32>
    %reduce_sum3A_152 = vector.multi_reduction <add>, %mul3A_150, %reduce_sum3A_151 [1] : vector<64x32x128xf32> to vector<64x128xf32>
    %slice3A_153 = vector.extract_strided_slice %get3A_5 {offsets = [0, 3, 0, 0], sizes = [64, 1, 32, 128], strides = [1, 1, 1, 1]} : vector<64x4x32x128xf32> to vector<64x1x32x128xf32>
    %squeeze3A_154 = vector.shape_cast %slice3A_153 : vector<64x1x32x128xf32> to vector<64x32x128xf32>
    %reshape3A_155 = vector.shape_cast %squeeze3A_154 : vector<64x32x128xf32> to vector<2048x128xf32>
    %get3A_156 = arith.constant 3 : index
    %get3A_157 = arith.constant 0 : index
    %get3A_158 = arith.constant 0 : index
    %get3A_159 = vector.load %arg4[%get3A_156, %get3A_157, %get3A_158] : memref<4x128x1xf32, #tpu.memory_space<vmem>>, vector<1x128x1xf32>
    %get3A_160 = vector.shape_cast %get3A_159 : vector<1x128x1xf32> to vector<128x1xf32>
    %dot_general3A_161 = arith.constant dense<0.000000e+00> : vector<2048x1xf32>
    %dot_general3A_162 = tpu.matmul %reshape3A_155, %get3A_160, %dot_general3A_161 {dimension_numbers = #tpu.dot_dimension_numbers<[1], [0], [0], [1], [0, 0, 1, 1], [], []>, transpose_lhs_hint = false} : vector<2048x128xf32>, vector<128x1xf32>, vector<2048x1xf32> -> vector<2048x1xf32>
    %get3A_163 = arith.constant 3 : index
    %get3A_164 = arith.constant 0 : index
    %get3A_165 = vector.load %arg5[%get3A_163, %get3A_164] : memref<4x1xf32, #tpu.memory_space<vmem>>, vector<1x1xf32>
    %get3A_166 = vector.shape_cast %get3A_165 : vector<1x1xf32> to vector<1xf32>
    %broadcast_in_dim3A_167 = vector.shape_cast %get3A_166 : vector<1xf32> to vector<1x1xf32>
    %add3A_168 = vector.broadcast %broadcast_in_dim3A_167 : vector<1x1xf32> to vector<2048x1xf32>
    %add3A_169 = arith.addf %dot_general3A_162, %add3A_168 : vector<2048x1xf32>
    %max3A_170 = arith.constant 0.000000e+00 : f32
    %max3A_171 = vector.broadcast %max3A_170 : f32 to vector<2048x1xf32>
    %max3A_172 = arith.maximumf %add3A_169, %max3A_171 : vector<2048x1xf32>
    %get3A_173 = arith.constant 0 : index
    %get3A_174 = arith.constant 0 : index
    %get3A_175 = arith.constant 3 : index
    %get3A_176 = vector.load %arg3[%get3A_173, %get3A_174, %get3A_175] : memref<1x64x4xf32, #tpu.memory_space<vmem>>, vector<1x64x1xf32>
    %get3A_177 = vector.shape_cast %get3A_176 : vector<1x64x1xf32> to vector<64xf32>
    %broadcast_in_dim3A_178 = vector.shape_cast %get3A_177 : vector<64xf32> to vector<64x1xf32>
    %reshape3A_179 = vector.shape_cast %max3A_172 : vector<2048x1xf32> to vector<64x32xf32>
    %add3A_180 = vector.broadcast %broadcast_in_dim3A_178 : vector<64x1xf32> to vector<64x32xf32>
    %add3A_181 = arith.addf %add3A_180, %reshape3A_179 : vector<64x32xf32>
    %gt3A_182 = arith.constant 0.000000e+00 : f32
    %gt3A_183 = vector.broadcast %gt3A_182 : f32 to vector<64x32xf32>
    %gt3A_184 = arith.cmpf ogt, %add3A_181, %gt3A_183 : vector<64x32xf32>
    %mul3A_185 = arith.constant 3.000000e-01 : f32
    %mul3A_186 = vector.broadcast %mul3A_185 : f32 to vector<64x32xf32>
    %mul3A_187 = arith.mulf %mul3A_186, %add3A_181 : vector<64x32xf32>
    %select_n3A_188 = arith.select %gt3A_184, %add3A_181, %mul3A_187 : vector<64x32xi1>, vector<64x32xf32>
    %reduce_max3A_189 = arith.constant dense<0xFF800000> : vector<64xf32>
    %reduce_max3A_190 = vector.multi_reduction <maximumf>, %select_n3A_188, %reduce_max3A_189 [1] : vector<64x32xf32> to vector<64xf32>
    %broadcast_in_dim3A_191 = vector.shape_cast %reduce_max3A_190 : vector<64xf32> to vector<64x1xf32>
    %sub3A_192 = vector.broadcast %broadcast_in_dim3A_191 : vector<64x1xf32> to vector<64x32xf32>
    %sub3A_193 = arith.subf %select_n3A_188, %sub3A_192 : vector<64x32xf32>
    %exp3A_194 = math.exp %sub3A_193 : vector<64x32xf32>
    %reduce_sum3A_195 = arith.constant dense<0.000000e+00> : vector<64xf32>
    %reduce_sum3A_196 = vector.multi_reduction <add>, %exp3A_194, %reduce_sum3A_195 [1] : vector<64x32xf32> to vector<64xf32>
    %broadcast_in_dim3A_197 = vector.shape_cast %reduce_sum3A_196 : vector<64xf32> to vector<64x1xf32>
    %div3A_198 = vector.broadcast %broadcast_in_dim3A_197 : vector<64x1xf32> to vector<64x32xf32>
    %div3A_199 = arith.divf %exp3A_194, %div3A_198 : vector<64x32xf32>
    %broadcast_in_dim3A_200 = vector.shape_cast %div3A_199 : vector<64x32xf32> to vector<64x32x1xf32>
    %slice3A_201 = vector.extract_strided_slice %get3A_5 {offsets = [0, 3, 0, 0], sizes = [64, 1, 32, 128], strides = [1, 1, 1, 1]} : vector<64x4x32x128xf32> to vector<64x1x32x128xf32>
    %squeeze3A_202 = vector.shape_cast %slice3A_201 : vector<64x1x32x128xf32> to vector<64x32x128xf32>
    %mul3A_203 = vector.broadcast %broadcast_in_dim3A_200 : vector<64x32x1xf32> to vector<64x32x128xf32>
    %mul3A_204 = arith.mulf %mul3A_203, %squeeze3A_202 : vector<64x32x128xf32>
    %reduce_sum3A_205 = arith.constant dense<0.000000e+00> : vector<64x128xf32>
    %reduce_sum3A_206 = vector.multi_reduction <add>, %mul3A_204, %reduce_sum3A_205 [1] : vector<64x32x128xf32> to vector<64x128xf32>
    %stack3A = vector.shape_cast %reduce_sum3A_44 : vector<64x128xf32> to vector<64x1x128xf32>
    %stack3A_207 = vector.shape_cast %reduce_sum3A_98 : vector<64x128xf32> to vector<64x1x128xf32>
    %stack3A_208 = vector.shape_cast %reduce_sum3A_152 : vector<64x128xf32> to vector<64x1x128xf32>
    %stack3A_209 = vector.shape_cast %reduce_sum3A_206 : vector<64x128xf32> to vector<64x1x128xf32>
    %stack3A_210 = tpu.concatenate %stack3A, %stack3A_207, %stack3A_208, %stack3A_209 in 1 : vector<64x1x128xf32>, vector<64x1x128xf32>, vector<64x1x128xf32>, vector<64x1x128xf32> -> vector<64x4x128xf32>
    %swap3A = arith.constant 0 : index
    %swap3A_211 = arith.constant 0 : index
    %swap3A_212 = arith.constant 0 : index
    %swap3A_213 = arith.constant 0 : index
    %swap3A_214 = vector.load %arg6[%swap3A, %swap3A_211, %swap3A_212, %swap3A_213] : memref<1x64x4x128xf32, #tpu.memory_space<vmem>>, vector<1x64x4x128xf32>
    %swap3A_215 = vector.shape_cast %swap3A_214 : vector<1x64x4x128xf32> to vector<64x4x128xf32>
    %swap3A_216 = vector.shape_cast %stack3A_210 : vector<64x4x128xf32> to vector<1x64x4x128xf32>
    tpu.vector_store %arg6[%swap3A, %swap3A_211, %swap3A_212, %swap3A_213], %swap3A_216 {strides = array<i32>} : memref<1x64x4x128xf32, #tpu.memory_space<vmem>>, vector<1x64x4x128xf32>,
    %stack3A_217 = vector.shape_cast %div3A_37 : vector<64x32xf32> to vector<64x1x32xf32>
    %stack3A_218 = vector.shape_cast %div3A_91 : vector<64x32xf32> to vector<64x1x32xf32>
    %stack3A_219 = vector.shape_cast %div3A_145 : vector<64x32xf32> to vector<64x1x32xf32>
    %stack3A_220 = vector.shape_cast %div3A_199 : vector<64x32xf32> to vector<64x1x32xf32>
    %stack3A_221 = tpu.concatenate %stack3A_217, %stack3A_218, %stack3A_219, %stack3A_220 in 1 : vector<64x1x32xf32>, vector<64x1x32xf32>, vector<64x1x32xf32>, vector<64x1x32xf32> -> vector<64x4x32xf32>
    %swap3A_222 = arith.constant 0 : index
    %swap3A_223 = arith.constant 0 : index
    %swap3A_224 = arith.constant 0 : index
    %swap3A_225 = arith.constant 0 : index
    %swap3A_226 = vector.load %arg7[%swap3A_222, %swap3A_223, %swap3A_224, %swap3A_225] : memref<1x64x4x32xf32, #tpu.memory_space<vmem>>, vector<1x64x4x32xf32>
    %swap3A_227 = vector.shape_cast %swap3A_226 : vector<1x64x4x32xf32> to vector<64x4x32xf32>
    %swap3A_228 = vector.shape_cast %stack3A_221 : vector<64x4x32xf32> to vector<1x64x4x32xf32>
    tpu.vector_store %arg7[%swap3A_222, %swap3A_223, %swap3A_224, %swap3A_225], %swap3A_228 {strides = array<i32>} : memref<1x64x4x32xf32, #tpu.memory_space<vmem>>, vector<1x64x4x32xf32>,
    return
  }
  func.func @transform_0(%arg0: i32, %arg1: i32) -> (i32, i32, i32, i32, i32) {
    %c0_i32 = arith.constant 0 : i32
    %c0_i32_0 = arith.constant 0 : i32
    %c0_i32_1 = arith.constant 0 : i32
    %c0_i32_2 = arith.constant 0 : i32
    return %arg0, %arg1, %c0_i32, %c0_i32_0, %c0_i32_1 : i32, i32, i32, i32, i32
  }
  func.func @transform_1(%arg0: i32, %arg1: i32) -> (i32, i32, i32) {
    %c0_i32 = arith.constant 0 : i32
    %c0_i32_0 = arith.constant 0 : i32
    return %arg0, %arg1, %c0_i32 : i32, i32, i32
  }
  func.func @transform_2(%arg0: i32, %arg1: i32) -> (i32, i32, i32) {
    %c0_i32 = arith.constant 0 : i32
    %c0_i32_0 = arith.constant 0 : i32
    %c0_i32_1 = arith.constant 0 : i32
    %c0_i32_2 = arith.constant 0 : i32
    return %c0_i32, %c0_i32_0, %c0_i32_1 : i32, i32, i32
  }
  func.func @transform_3(%arg0: i32, %arg1: i32) -> (i32, i32) {
    %c0_i32 = arith.constant 0 : i32
    %c0_i32_0 = arith.constant 0 : i32
    %c0_i32_1 = arith.constant 0 : i32
    return %c0_i32, %c0_i32_0 : i32, i32
  }
  func.func @transform_4(%arg0: i32, %arg1: i32) -> (i32, i32, i32, i32) {
    %c0_i32 = arith.constant 0 : i32
    %c0_i32_0 = arith.constant 0 : i32
    %c0_i32_1 = arith.constant 0 : i32
    return %arg0, %arg1, %c0_i32, %c0_i32_0 : i32, i32, i32, i32
  }
  func.func @transform_5(%arg0: i32, %arg1: i32) -> (i32, i32, i32, i32) {
    %c0_i32 = arith.constant 0 : i32
    %c0_i32_0 = arith.constant 0 : i32
    %c0_i32_1 = arith.constant 0 : i32
    return %arg0, %arg1, %c0_i32, %c0_i32_0 : i32, i32, i32, i32
  }
}

</mosaic_0001>

<sc_bundles>
// kernel: kernel.7.cloned.1.call-start
scs
__scs_entry_jumppad:
0x0: {  	(pc) =	sbr.rel $0x88, $3  }
0x1: {  	(tag) =	ssettag $0x0;
	lr =	simm.s32 $0x1  }
0x2: {  	[smem:$0x3F98] =	sst lr;
	_ =	strace $0xD0000000  }
0x3: {  	_ = 	snop  }
0x4: {  	_ = 	snop  }
0x5: {  	_ = 	snop  }
0x6: {  	_ = 	snop  }
0x7: {  	_ = 	snop  }
__scs_overlays_trampoline_lowered:
0x8: {  	[smem:$0x3FA7] =	sst s0  }
0x9: {  	[smem:$0x3FA8] =	sst s1  }
0xa: {  	[smem:$0x3FA9] =	sst s2  }
0xb: {  	[smem:$0x3FAA] =	sst s3  }
0xc: {  	[smem:$0x3FAB] =	sst s4  }
0xd: {  	[smem:$0x3FAC] =	sst s5  }
0xe: {  	[smem:$0x3FAD] =	sst s6  }
0xf: {  	[smem:$0x3FAE] =	sst s7  }
0x10: {  	[smem:$0x3FAF] =	sst s8  }
0x11: {  	[smem:$0x3FB0] =	sst s9;
	s0 =	simm.s32 @!p0 $0x0  }
0x12: {  	s1 =	sld [smem:$0x3F96];
	s0 =	simm.s32 @p0 $0x1  }
0x13: {  	[smem:$0x3FB1] =	sst s0;
	s0 =	simm.s32 @!p1 $0x0  }
0x14: {  	s2 =	sld [smem:$0x3F95];
	s0 =	simm.s32 @p1 $0x1  }
0x15: {  	[smem:$0x3FB2] =	sst s0;
	s0 =	simm.s32 @!p2 $0x0  }
0x16: {  	s3 =	sld [smem:$0x3FDB];
	s0 =	simm.s32 @p2 $0x1  }
0x17: {  	s4 =	simm.s32 $0x1BF5;
	[smem:$0x3FB4] =	sst s0  }
0x18: {  	s0 =	sld [smem:$0x3F97];
	_ =	swait.ge [sflag:s4], $0x0  }
0x19: {  	s7 =	sld [smem:$0x3F98]  }
0x1a: {  	s8 =	sadd.s32 $0xFFFFE003, lr  }
0x1b: {  	s9 =	sadd.s32 $0xFFFFFEF7, lr;
	s5 =	simm.s32 $0xFFFFFFFF;
	p2 =	slt.u32 s8, $0xFFFFF086  }
0x1c: {  	p1 =	slt.u32 s9, $0xF7A;
	s5 =	simm.s32 @!p2 $0x0  }
0x1d: {  	s5 =	simm.s32 @p1 $0x1;
	p0 =	seq.s32 s7, s2  }
0x1e: {  	s7 =	smul.u32 @!p0 $0xF7A, s2;
	p2 =	seq.s32 @!p0 s5, $0x0  }
0x1f: {  	s9 =	smul.u32 $0xF7A, s1;
	s8 =	simm.s32 @!p0 $0x1BF5;
	p2 =	por !p2, p0  }
0x20: {  	[sflag:s8] =	ssyncset.s32 @!p0 $0xFFFFF086;
	s6 =	sadd.s32 @!p0 s3, s7;
	s7 =	simm.s32 @!p0 $0x108  }
0x21: {  	s3 =	sadd.s32 s3, s9;
	s6 =	sadd.s32 @!p0 $0x88, s6;
	s7 =	simm.s32 @p2 $0x1082  }
0x22: {  	[simem:s7], [sflag:s8] =	dma.local @!p0 [hbm:s6], $0xF7A  }
0x23: {  	s9 =	sor.u32 $0xD0000000, s2;
	s6 =	simm.s32 $0x108;
	_ =	swait.ge @!p0 [sflag:s8], $0x0  }
0x24: {  	s3 =	sadd.s32 $0x88, s3;
	s6 =	simm.s32 @!p1 $0x1082;
	[sflag:s4] =	ssyncset.s32 $0xFFFFF086  }
0x25: {  	[simem:s6], [sflag:s4] =	dma.local [hbm:s3], $0xF7A  }
0x26: {  	[smem:$0x3F98] =	sst s1;
	(tag) =	ssettag s2;
	_ =	strace s9  }
0x27: {  	s1 =	sld [smem:$0x3FA8]  }
0x28: {  	s2 =	sld [smem:$0x3FA9]  }
0x29: {  	s4 =	sld [smem:$0x3FAB]  }
0x2a: {  	p0 =	seq.s32 s5, $0x0;
	s5 =	sld [smem:$0x3FAC]  }
0x2b: {  	s6 =	sld [smem:$0x3FAD]  }
0x2c: {  	s7 =	sld [smem:$0x3FAE]  }
0x2d: {  	s3 =	simm.s32 $0x108;
	s8 =	sld [smem:$0x3FAF]  }
0x2e: {  	s3 =	simm.s32 @!p0 $0x1082;
	s9 =	sld [smem:$0x3FB0]  }
0x2f: {  	lr =	sadd.s32 s0, s3;
	s0 =	sld [smem:$0x3FA7]  }
0x30: {  	s3 =	sld [smem:$0x3FAA]  }
0x31: {  	[smem:$0x3FB3] =	sst s10  }
0x32: {  	s10 =	sld [smem:$0x3FB1];
	_ =	sdelay $0x3  }
0x33: {  	p0 =	seq.s32 s10, $0x1;
	s10 =	sld [smem:$0x3FB3];
	_ =	sdelay $0x3  }
0x34: {  	[smem:$0x3FB3] =	sst s10  }
0x35: {  	s10 =	sld [smem:$0x3FB2];
	_ =	sdelay $0x3  }
0x36: {  	p1 =	seq.s32 s10, $0x1;
	s10 =	sld [smem:$0x3FB3];
	_ =	sdelay $0x3  }
0x37: {  	[smem:$0x3FB3] =	sst s10  }
0x38: {  	s10 =	sld [smem:$0x3FB4]  }
0x39: {  	_ = 	snop;
	(pc) =	sbr.ind lr, $3  }
0x3a: {  	_ = 	snop  }
0x3b: {  	_ = 	snop  }
0x3c: {  	p2 =	seq.s32 s10, $0x1;
	s10 =	sld [smem:$0x3FB3]  }
0x3d: {  	_ =	shalt  }
0x3e: {  	_ =	shalt  }
0x3f: {  	_ =	shalt  }
0x40: {  	_ =	shalt  }
0x41: {  	_ =	shalt  }
0x42: {  	_ =	shalt  }
0x43: {  	_ =	shalt  }
0x44: {  	_ =	shalt  }
0x45: {  	_ =	shalt  }
0x46: {  	_ =	shalt  }
0x47: {  	_ =	shalt  }
0x48: {  	_ =	shalt  }
0x49: {  	_ =	shalt  }
0x4a: {  	_ =	shalt  }
0x4b: {  	_ =	shalt  }
0x4c: {  	_ =	shalt  }
0x4d: {  	_ =	shalt  }
0x4e: {  	_ =	shalt  }
0x4f: {  	_ =	shalt  }
0x50: {  	_ =	shalt  }
0x51: {  	_ =	shalt  }
0x52: {  	_ =	shalt  }
0x53: {  	_ =	shalt  }
0x54: {  	_ =	shalt  }
0x55: {  	_ =	shalt  }
0x56: {  	_ =	shalt  }
0x57: {  	_ =	shalt  }
0x58: {  	_ =	shalt  }
0x59: {  	_ =	shalt  }
0x5a: {  	_ =	shalt  }
0x5b: {  	_ =	shalt  }
0x5c: {  	_ =	shalt  }
0x5d: {  	_ =	shalt  }
0x5e: {  	_ =	shalt  }
0x5f: {  	_ =	shalt  }
0x60: {  	_ =	shalt  }
0x61: {  	_ =	shalt  }
0x62: {  	_ =	shalt  }
0x63: {  	_ =	shalt  }
0x64: {  	_ =	shalt  }
0x65: {  	_ =	shalt  }
0x66: {  	_ =	shalt  }
0x67: {  	_ =	shalt  }
0x68: {  	_ =	shalt  }
0x69: {  	_ =	shalt  }
0x6a: {  	_ =	shalt  }
0x6b: {  	_ =	shalt  }
0x6c: {  	_ =	shalt  }
0x6d: {  	_ =	shalt  }
0x6e: {  	_ =	shalt  }
0x6f: {  	_ =	shalt  }
0x70: {  	_ =	shalt  }
0x71: {  	_ =	shalt  }
0x72: {  	_ =	shalt  }
0x73: {  	_ =	shalt  }
0x74: {  	_ =	shalt  }
0x75: {  	_ =	shalt  }
0x76: {  	_ =	shalt  }
0x77: {  	_ =	shalt  }
0x78: {  	_ =	shalt  }
0x79: {  	_ =	shalt  }
0x7a: {  	_ =	shalt  }
0x7b: {  	_ =	shalt  }
0x7c: {  	_ =	shalt  }
0x7d: {  	_ =	shalt  }
0x7e: {  	_ =	shalt  }
0x7f: {  	_ =	shalt  }
0x80: {  	_ =	shalt  }
0x81: {  	_ =	shalt  }
0x82: {  	_ =	shalt  }
0x83: {  	_ =	shalt  }
0x84: {  	_ =	shalt  }
0x85: {  	_ =	shalt  }
0x86: {  	_ =	shalt  }
0x87: {  	_ =	shalt  }
.Lfunc_end0:
.L_simem_size_0:
called_computation_lowered:
.L_overlay_start_0:
0x88: {  	s2 =	sld [smem:$0x3FD9]  }
0x89: {  	s3 =	sld [smem:$0x3FFE];
	_ =	sdelay $0x1  }
0x8a: {  	s1 =	srdreg.scid  }
0x8b: {  	s0 =	sand.u32 $0x1, s1  }
0x8c: {  	s15 =	sshll.u32 s0, $0xA;
	s2 =	sadd.s32 s3, s2  }
0x8d: {  	s2 =	sadd.s32 s2, s15  }
0x8e: {  	[smem:$0x3FBF] =	sst s2  }
0x8f: {  	_ = 	snop  }
0x90: {  	s2 =	sld [smem:$0x3FD0];
	_ =	sdelay $0x2  }
0x91: {  	s16 =	simm.s32 $0xA;
	s4 =	simm.s32 $0x10  }
0x92: {  	[smem:s4], [sflag:s16] =	dma.local [hbm:s2], $0x1  }
0x93: {  	_ =	swait.eq [sflag:s16], $0x1  }
0x94: {  	s17 =	sld [smem:$0x10];
	[sflag:s16] =	ssyncset.done $0x0  }
0x95: {  	s18 =	sld [smem:$0x11];
	[sflag:s16] =	ssyncadd.s32 $0xFFFFFFFF  }
0x96: {  	s19 =	sld [smem:$0x12];
	(tm) =	ssettm $0x1  }
0x97: {  	s5 =	sld [smem:$0x3FFB];
	_ =	sdelay $0x3  }
0x98: {  	_ =	strace s5  }
0x99: {  	s5 =	sld [smem:$0x3FFC];
	_ =	sdelay $0x3  }
0x9a: {  	_ =	strace s5  }
0x9b: {  	s5 =	sld [smem:$0x3FFD];
	_ =	sdelay $0x3  }
0x9c: {  	_ =	strace s5  }
0x9d: {  	_ =	strace $0x8FFFFFFF  }
0x9e: {  	s20 =	sld [smem:$0x3FDB];
	_ =	sdelay $0x1  }
0x9f: {  	s6 =	simm.s32 $_scs_section_size  }
0xa0: {  	s7 =	simm.s32 $_size__tile_overlayer_lowered;
	s8 =	simm.s32 $_tile_overlayer_lowered  }
0xa1: {  	s23 =	simm.s32 $0x1BFF;
	s22 =	sshll.u32 s8, $0x1;
	s5 =	sadd.s32 s6, s20  }
0xa2: {  	s9 =	simm.s32 $0x0;
	s21 =	sshll.u32 s7, $0x1;
	s7 =	sadd.s32 s22, s5  }
0xa3: {  	[timem:s9], [sflag:s23] =	dma.local [hbm:s7], s21  }
0xa4: {  	_ =	swait.ge [sflag:s23], s21  }
0xa5: {  	s6 =	ssub.s32 $0x0, s21;
	[sflag:s23] =	ssyncset.done $0x0  }
0xa6: {  	[sflag:s23] =	ssyncadd.s32 s6;
	_ =	sdelay $0x1  }
0xa7: {  	s24 =	simm.s32 $0x1B8B  }
0xa8: {  	_ =	swait.ge [sflag:s24], $0x1  }
0xa9: {  	[sflag:s24] =	ssyncset.done $0x0  }
0xaa: {  	s25 =	simm.s32 $0x1B8E;
	[sflag:s24] =	ssyncadd.s32 $0xFFFFFFFF  }
0xab: {  	s26 =	simm.s32 $execute0_lowered;
	[smem:$0x3FD2] =	sst s25  }
0xac: {  	s6 =	sshll.u32 s26, $0x1;
	_ =	strace $0x80000046;
	[dreg:$0x1] =	wrdreg $0xFFFFFFFF  }
0xad: {  	s28 =	simm.s32 $_size_execute0_lowered;
	s5 =	sadd.s32 s5, s6;
	[dreg:$0x0] =	wrdreg $0x0  }
0xae: {  	s6 =	sshll.u32 s28, $0x1;
	[dreg:$0x2] =	wrdreg s5  }
0xaf: {  	[dreg:$0x3] =	wrdreg s6  }
0xb0: {  	[dreg:$0x4] =	wrdreg $0xC0  }
0xb1: {  	_ =	task [dreg:s9], $0x5FFFF  }
0xb2: {  	[dreg:$0x1] =	wrdreg $0xFFFFFFFF  }
0xb3: {  	[dreg:$0x0] =	wrdreg $0x60  }
0xb4: {  	[dreg:$0x2] =	wrdreg s17  }
0xb5: {  	[dreg:$0x3] =	wrdreg s19  }
0xb6: {  	[dreg:$0x4] =	wrdreg s18  }
0xb7: {  	[dreg:$0x5] =	wrdreg $0x9  }
0xb8: {  	_ =	task.clear_ibuf [dreg:s9], $0x6FFFF;
	_ =	strace $0x90000046  }
0xb9: {  	s29 =	simm.s32 $0x9;
	_ =	strace $0x80000048  }
0xba: {  	_ =	swait.ge [sflag:s29], $0x1  }
0xbb: {  	[sflag:s29] =	ssyncadd.s32 $0xFFFFFFFF  }
0xbc: {  	_ =	strace $0x90000048  }
0xbd: {  	_ =	sfence  }
0xbe: {  	s30 =	sld [smem:$0x0];
	_ =	sdelay $0x2  }
0xbf: {  	s31 =	sshll.u32 s1, $0xD;
	s1 =	sshrl.u32 s1, $0x2  }
0xc0: {  	s3 =	sand.u32 $0x4000, s31;
	s1 =	sadd.s32 s1, s30  }
0xc1: {  	s0 =	sor.u32 s3, s0;
	s1 =	sshll.u32 s1, $0x11  }
0xc2: {  	s0 =	sor.u32 s1, s0  }
0xc3: {  	s0 =	sadd.s32 $0x8F2B, s0  }
0xc4: {  	[sflag:s0] =	ssyncadd.remote.s32 $0x1  }
0xc5: {  	_ =	sfence.sel $0xFFFF  }
0xc6: {  	[dreg:$0x0] =	wrdreg $0xFFFFFFFF;
	(pc) =	sbr.abs _section_cstart, $3  }
0xc7: {  	[dreg:$0x1] =	wrdreg $0xFFFFFFFF  }
0xc8: {  	_ =	task.clear_ibuf [dreg:s9], $0x2FFFF;
	_ =	strace $0x9FFFFFFF  }
0xc9: {  	(tm) =	ssettm $0x7FFFFFFF  }
tec
execute0_lowered:
.L_overlay_start_1:
0x0: {  	(tag) =	ssettag $0x1  }
0x1: {  	s4 =	rddreg [dreg:$0x0]  }
0x2: {  	s3 =	rddreg [dreg:$0x1]  }
0x3: {  	s9 =	rddreg [dreg:$0x2]  }
0x4: {  	s0 =	rddreg [dreg:$0x3];
	s5 =	srdreg.scid  }
0x5: {  	s2 =	simm.s32 $0x0;
	s1 =	stileid.u32;
	s11 =	simm.s32 $0x80  }
0x6: {  	s12 =	simm.s32 $0x4000;
	s13 =	simm.s32 $0x1;
	s14 =	simm.s32 $0x8000  }
0x7: {  	s15 =	simm.s32 $0x2;
	s16 =	simm.s32 $0x3;
	s17 =	simm.s32 $0x4  }
0x8: {  	s18 =	simm.s32 $0x0;
	s5 =	sand.u32 $0x1, s5;
	[smem:$0x7FF] =	sst s2  }
0x9: {  	s7 =	sshll.u32 s1, $0xB;
	s29 =	sshll.u32 s1, $0x15;
	s6 =	ssub.s32 $0x2, s5  }
0xa: {  	s10 =	sshll.u32 s5, $0xF;
	s3 =	sadd.s32 s3, s7;
	_ =	strace $0x80000047  }
0xb: {  	s26 =	sshll.u32 s5, $0x11;
	s28 =	sshll.u32 s5, $0x19;
	s8 =	sshrl.u32 s6, $0x1  }
0xc: {  	s3 =	sadd.s32 s10, s3;
	s4 =	sadd.s32 s4, s26;
	s30 =	sor.u32 s28, s29  }
0xd: {  	s6 =	ssub.s32 s6, s8;
	s31 =	sshrl.u32 s30, $0x3;
	s8 =	sor.u32 $0x8000, s30  }
0xe: {  	s10 =	sor.u32 $0xC000, s30;
	s5 =	smax.u32 s6, $0x1;
	s6 =	sadd.s32 s9, s31  }
0xf: {  	s8 =	sshrl.u32 s8, $0x3;
	s10 =	sshrl.u32 s10, $0x3;
	s7 =	sadd.s32 $0x800, s6  }
0x10: {  	s8 =	sadd.s32 s8, s9;
	s9 =	sadd.s32 s10, s9;
	s10 =	simm.s32 $0x5  }
.LBB2_1:
0x11: {  	[tilespmem:s2], [sflag:$0x5] =	stream.linear.gather [hbm4b:s3+s2], $0x4000, $0x38;
	[tilespmem:$0xC000] =	vst v63  }
0x12: {  	_ =	swait.ge [sflag:s10], $0x4000  }
0x13: {  	[sflag:s10] =	ssyncset.done $0x0  }
0x14: {  	[sflag:s10] =	ssyncadd.s32 $0xFFFFC000  }
0x15: {  	[tilespmem:s12], [sflag:$0x1] =	stream.indirect.gather [hbm4b:s4+s11], $0x80, s2, s11, $0xb8;
	[tilespmem:$0xC000] =	vst v63  }
0x16: {  	_ =	swait.ge [sflag:s13], $0x4000  }
0x17: {  	[sflag:s13] =	ssyncset.done $0x0  }
0x18: {  	[sflag:s13] =	ssyncadd.s32 $0xFFFFC000  }
0x19: {  	[hbm4b:s6+s2] =	stream.linear.scatter [tilespmem:s12], [sflag:$0x3], $0x4000, $0x38;
	[tilespmem:$0xC000] =	vst v63  }
0x1a: {  	_ = 	snop  }
0x1b: {  	[tilespmem:s14], [sflag:$0x2] =	stream.indirect.gather [hbm4b:s4+s11], $0x80, s11, s11, $0xb8;
	[tilespmem:$0xC000] =	vst v63  }
0x1c: {  	_ =	swait.ge [sflag:s15], $0x4000  }
0x1d: {  	[sflag:s15] =	ssyncset.done $0x0  }
0x1e: {  	[sflag:s15] =	ssyncadd.s32 $0xFFFFC000  }
0x1f: {  	[hbm4b:s7+s2] =	stream.linear.scatter [tilespmem:s14], [sflag:$0x4], $0x4000, $0x38;
	[tilespmem:$0xC000] =	vst v63  }
0x20: {  	_ =	swait.ge [sflag:s16], $0x4000  }
0x21: {  	[sflag:s16] =	ssyncset.done $0x0  }
0x22: {  	s19 =	simm.s32 $0x100;
	[sflag:s16] =	ssyncadd.s32 $0xFFFFC000  }
0x23: {  	[tilespmem:s12], [sflag:$0x1] =	stream.indirect.gather [hbm4b:s4+s11], $0x80, s19, s11, $0xb8;
	[tilespmem:$0xC000] =	vst v63  }
0x24: {  	_ =	swait.ge [sflag:s13], $0x4000  }
0x25: {  	[sflag:s13] =	ssyncset.done $0x0  }
0x26: {  	s30 =	sadd.s32 $0x0, s8;
	[sflag:s13] =	ssyncadd.s32 $0xFFFFC000  }
0x27: {  	[hbm4b:s30+s2] =	stream.linear.scatter [tilespmem:s12], [sflag:$0x3], $0x4000, $0x38;
	[tilespmem:$0xC000] =	vst v63  }
0x28: {  	_ =	swait.ge [sflag:s17], $0x4000  }
0x29: {  	[sflag:s17] =	ssyncset.done $0x0  }
0x2a: {  	s31 =	simm.s32 $0x180;
	[sflag:s17] =	ssyncadd.s32 $0xFFFFC000  }
0x2b: {  	[tilespmem:s14], [sflag:$0x2] =	stream.indirect.gather [hbm4b:s4+s11], $0x80, s31, s11, $0xb8;
	[tilespmem:$0xC000] =	vst v63  }
0x2c: {  	_ =	swait.ge [sflag:s15], $0x4000  }
0x2d: {  	s21 =	sadd.s32 $0x0, s9;
	[sflag:s15] =	ssyncset.done $0x0  }
0x2e: {  	s20 =	simm.s32 $0x200;
	s19 =	simm.s32 $0x1000;
	[sflag:s15] =	ssyncadd.s32 $0xFFFFC000  }
.LBB2_2:
0x2f: {  	[hbm4b:s21+s2] =	stream.linear.scatter [tilespmem:s14], [sflag:$0x4], $0x4000, $0x38;
	[tilespmem:$0xC000] =	vst v63  }
0x30: {  	s21 =	smov.u32 s19  }
0x31: {  	p0 =	sne.s32 s19, $0x3E000;
	s19 =	sadd.s32 $0x1000, s19;
	_ =	swait.ge [sflag:s16], $0x4000  }
0x32: {  	[sflag:s16] =	ssyncset.done $0x0  }
0x33: {  	[sflag:s16] =	ssyncadd.s32 $0xFFFFC000  }
0x34: {  	[tilespmem:s12], [sflag:$0x1] =	stream.indirect.gather [hbm4b:s4+s11], $0x80, s20, s11, $0xb8;
	[tilespmem:$0xC000] =	vst v63  }
0x35: {  	_ =	swait.ge [sflag:s13], $0x4000  }
0x36: {  	[sflag:s13] =	ssyncset.done $0x0  }
0x37: {  	s22 =	sadd.s32 s21, s8;
	[sflag:s13] =	ssyncadd.s32 $0xFFFFC000  }
0x38: {  	[hbm4b:s22+s2] =	stream.linear.scatter [tilespmem:s12], [sflag:$0x3], $0x4000, $0x38;
	[tilespmem:$0xC000] =	vst v63  }
0x39: {  	_ =	swait.ge [sflag:s17], $0x4000  }
0x3a: {  	[sflag:s17] =	ssyncset.done $0x0  }
.Ltmp0:
0x3b: {  	s22 =	sadd.s32 $0x80, s20;
	[sflag:s17] =	ssyncadd.s32 $0xFFFFC000;
	(pc) =	sbr.rel @p0 .LBB2_2-.Ltmp0, $4  }
0x3c: {  	[tilespmem:s14], [sflag:$0x2] =	stream.indirect.gather [hbm4b:s4+s11], $0x80, s22, s11, $0xb8;
	[tilespmem:$0xC000] =	vst v63  }
0x3d: {  	_ =	swait.ge [sflag:s15], $0x4000  }
0x3e: {  	[sflag:s15] =	ssyncset.done $0x0  }
0x3f: {  	s21 =	sadd.s32 s21, s9;
	s20 =	sadd.s32 $0x100, s20;
	[sflag:s15] =	ssyncadd.s32 $0xFFFFC000  }
0x40: {  	[hbm4b:s21+s2] =	stream.linear.scatter [tilespmem:s14], [sflag:$0x4], $0x4000, $0x38;
	[tilespmem:$0xC000] =	vst v63  }
0x41: {  	s18 =	sadd.s32 $0x1, s18  }
0x42: {  	_ =	swait.ge [sflag:s16], $0x4000;
	p0 =	sne.s32 s18, s5  }
.Ltmp1:
0x43: {  	[sflag:s16] =	ssyncset.done $0x0;
	(pc) =	sbr.rel @p0 .LBB2_1-.Ltmp1, $4  }
0x44: {  	[sflag:s16] =	ssyncadd.s32 $0xFFFFC000  }
0x45: {  	_ =	swait.ge [sflag:s17], $0x4000  }
0x46: {  	[sflag:s17] =	ssyncset.done $0x0  }
0x47: {  	[sflag:s17] =	ssyncadd.s32 $0xFFFFC000  }
0x48: {  	_ =	sfence.sel $0x180000  }
0x49: {  	[bflag:$0x0] =	sbarrier.arrive $0xFFFF  }
0x4a: {  	p0 =	sne.s32 s1, $0x0;
	_ =	strace $0x90000047  }
0x4b: {  	s0 =	sadd.s32 @!p0 $0x100000, s0;
	[bflag:$0x2] =	sbarrier.arrive $0xFFFF  }
0x4c: {  	[sflag:s0] =	ssyncadd.tile.s32 @!p0 $0x1;
	_ =	shalt  }
.Lfunc_end2:
_tile_overlayer_lowered:
.L_overlay_start_2:
0x4d: {  	(tag) =	ssettag $0x2  }
0x4e: {  	s0 =	rddreg [dreg:$0x0];
	s2 =	stileid.u32  }
0x4f: {  	s1 =	rddreg [dreg:$0x1];
	p0 =	sne.s32 s2, $0x0  }
0x50: {  	s3 =	rddreg [dreg:$0x2];
	[bflag:$0x3] =	sbarrier.arrive $0xFFFF;
	s2 =	simm.s32 @!p0 $0x1C05  }
0x51: {  	[timem:s3], [sflag:s2] =	dma.local @!p0 [hbm:s0], s1  }
0x52: {  	s0 =	simm.s32 @!p0 $0x5  }
0x53: {  	_ =	swait.ge @!p0 [sflag:s0], s1  }
0x54: {  	s1 =	ssub.s32 @!p0 $0x0, s1;
	[sflag:s0] =	ssyncset.done @!p0 $0x0  }
0x55: {  	[sflag:s0] =	ssyncadd.s32 @!p0 s1  }
0x56: {  	[bflag:$0x3] =	sbarrier.arrive $0xFFFF  }
0x57: {  	_ =	shalt  }

</sc_bundles>
